<compile_context>
chip_gen: v7x
topology: tpu7x:2x2x1
jax: 0.10.2.dev20260603
libtpu: 0.0.44.dev20260713+nightly
codegen_flags: <defaults>
</compile_context>

<pallas_src>
import functools

import jax
import jax.numpy as jnp
from jax import lax
from jax.experimental import pallas as pl
from jax.experimental.pallas import tpu as pltpu
from jax.experimental.pallas import tpu_sc as plsc

NC = 2
NS = 16
NW = NC * NS
LANES = 16
CH = 128


NBUF = 5
FA = 3


def _body(n_chunks, W_hbm, xw_hbm, emb_hbm, mask_hbm, idx_v, mask_v, rows_v,
          gsems, wsems, isem):
    wid = lax.axis_index("s") * NC + lax.axis_index("c")
    pltpu.sync_copy(xw_hbm.at[wid, pl.ds(0, 8)], idx_v.at[pl.ds(0, 8)])
    rest = pltpu.async_copy(
        xw_hbm.at[wid, pl.ds(8, n_chunks - 8)],
        idx_v.at[pl.ds(8, n_chunks - 8)], isem)
    row_base = wid * (n_chunks * CH)

    def start_gather(c, b):
        pltpu.async_copy(W_hbm.at[idx_v.at[c]], rows_v.at[b], gsems.at[b])

    def wait_gather(c, b):
        pltpu.make_async_copy(
            W_hbm.at[idx_v.at[c]], rows_v.at[b], gsems.at[b]).wait()

    def start_write(c, b):
        pltpu.async_copy(
            rows_v.at[b], emb_hbm.at[pl.ds(row_base + c * CH, CH)], wsems.at[b])

    def wait_write(c, b):
        pltpu.make_async_copy(
            rows_v.at[b], emb_hbm.at[pl.ds(row_base + c * CH, CH)],
            wsems.at[b]).wait()

    assert FA <= 8
    for c in range(FA):
        start_gather(c, c % NBUF)
    rest.wait()

    def step(c0, carry):
        for b in range(NBUF):
            c = c0 * NBUF + b
            nb = (b + FA) % NBUF

            @pl.when((c >= NBUF - FA) & (c + FA < n_chunks))
            def _():
                wait_write(c + FA - NBUF, nb)

            @pl.when(c + FA < n_chunks)
            def _():
                start_gather(c + FA, nb)

            for j in range(CH // LANES):
                v = idx_v[c, pl.ds(j * LANES, LANES)]
                mask_v[c, pl.ds(j * LANES, LANES)] = jnp.where(
                    v != 0, jnp.float32(1.0), jnp.float32(0.0))

            wait_gather(c, b)
            start_write(c, b)
        return carry

    lax.fori_loop(0, n_chunks // NBUF, step, 0)
    mask_out = pltpu.async_copy(mask_v, mask_hbm.at[wid], isem)
    for c in range(max(0, n_chunks - NBUF), n_chunks):
        wait_write(c, c % NBUF)
    mask_out.wait()


def _make_embed(total, emb_dim, n_chunks):
    mesh = plsc.VectorSubcoreMesh(core_axis_name="c", subcore_axis_name="s")
    return pl.kernel(
        functools.partial(_body, n_chunks),
        mesh=mesh,
        out_type=[
            jax.ShapeDtypeStruct((total, emb_dim), jnp.float32),
            jax.ShapeDtypeStruct((NW, n_chunks, CH), jnp.float32),
        ],
        scratch_types=[
            pltpu.VMEM((n_chunks, CH), jnp.int32),
            pltpu.VMEM((n_chunks, CH), jnp.float32),
            pltpu.VMEM((NBUF, CH, emb_dim), jnp.float32),
            pltpu.SemaphoreType.DMA((NBUF,)),
            pltpu.SemaphoreType.DMA((NBUF,)),
            pltpu.SemaphoreType.DMA,
        ],
    )


def kernel(x, W):
    b1, b2 = x.shape
    total = b1 * b2
    emb_dim = W.shape[1]
    assert total % (NW * CH) == 0
    n_chunks = total // (NW * CH)
    assert n_chunks % NBUF == 0
    xt = jnp.swapaxes(x, 0, 1).astype(jnp.int32)
    xw = xt.reshape(NW, n_chunks, CH)
    emb, mask = _make_embed(total, emb_dim, n_chunks)(W, xw)
    emb = emb.reshape(b2, b1, emb_dim).transpose(1, 0, 2)
    mask = mask.reshape(b2, b1).T
    return emb, mask

# --- scband reference (transcript-rebuilt; emitter-appended) ---
"""Pipeline reference for scband-embedding-90692529422346 (READ-ONLY COPY).

The authoritative reference and input builder live on the scoring server;
editing this copy changes nothing except your own understanding.
"""

import jax, jax.numpy as jnp
import numpy as np

VOCAB = 100000
EMB = 128

def setup_inputs(seed: int = 0) -> dict:
    key = jax.random.key(seed)
    k1, k2 = jax.random.split(key)
    x = jax.random.randint(k1, (4096, 50), 0, VOCAB, dtype=jnp.int32).astype(jnp.int64)
    W = jax.random.uniform(k2, (VOCAB, EMB), minval=-0.05, maxval=0.05, dtype=jnp.float32)
    W = W.at[0].set(0.0)  # padding_idx=0
    return {"x": x, "W": W}

def reference(x, W):
    # torch.nn.Embedding(vocab, emb, padding_idx=0) lookup
    embeddings = jnp.take(W, x, axis=0)
    # dropout_rate=0.0 (and eval mode) -> identity
    mask = jnp.not_equal(x, 0).astype(jnp.float32)
    return (embeddings, mask)

if __name__ == "__main__":
    import jax
    _d = setup_inputs()
    print(jax.jit(kernel)(*tuple(_d.values())))

</pallas_src>

<mosaic_0001>
#map = affine_map<(d0, d1) -> (0, 0)>
#map1 = affine_map<(d0, d1) -> (0, 0, 0)>
module attributes {stable_mosaic.version = 14 : i64} {
  func.func @_body(%arg0: i32, %arg1: i32, %arg2: memref<100000x128xf32, #tpu.memory_space<hbm>>, %arg3: memref<32x50x128xi32, #tpu.memory_space<hbm>>, %arg4: memref<204800x128xf32, #tpu.memory_space<hbm>>, %arg5: memref<32x50x128xf32, #tpu.memory_space<hbm>>, %arg6: memref<50x128xi32, #tpu.memory_space<vmem>>, %arg7: memref<50x128xf32, #tpu.memory_space<vmem>>, %arg8: memref<5x128x128xf32, #tpu.memory_space<vmem>>, %arg9: memref<5x!tpu.dma_semaphore, #tpu.memory_space<semaphore_mem>>, %arg10: memref<5x!tpu.dma_semaphore, #tpu.memory_space<semaphore_mem>>, %arg11: memref<!tpu.dma_semaphore, #tpu.memory_space<semaphore_mem>>) attributes {dimension_semantics = [#tpu.dimension_semantics<core_parallel>, #tpu.dimension_semantics<subcore_parallel>], iteration_bounds = array<i64: 2, 16>, scalar_prefetch = 0 : i64, scratch_operands = 6 : i64, tpu.core_type = #tpu.core_type<sc_vector_subcore>, window_params = [{transform_indices = #map}, {transform_indices = #map1}, {transform_indices = #map}, {transform_indices = #map1}]} {
    %mul3A = arith.constant 2 : i32
    %mul3A_0 = arith.muli %arg1, %mul3A : i32
    %add3A = arith.addi %mul3A_0, %arg0 : i32
    "tpu.region"() ({
      %run_scoped3A = tpu.sem_alloc : memref<!tpu.dma_semaphore, #tpu.memory_space<semaphore_mem>>
      %dma_start3A_185 = arith.constant 0 : i32
      %dma_start3A_186 = arith.constant 0 : i32
      %dma_start3A_187 = tpu.memref_slice %arg6[%dma_start3A_185, %dma_start3A_186] : memref<50x128xi32, #tpu.memory_space<vmem>> -> memref<8x128xi32, #tpu.memory_space<vmem>>
      %dma_start3A_188 = arith.constant 0 : i32
      %dma_start3A_189 = arith.constant 0 : i32
      %dma_start3A_190 = tpu.memref_slice %arg3[%add3A, %dma_start3A_188, %dma_start3A_189] : memref<32x50x128xi32, #tpu.memory_space<hbm>> -> memref<1x8x128xi32, #tpu.memory_space<hbm>>
      %dma_start3A_191 = tpu.memref_squeeze %dma_start3A_190 : memref<1x8x128xi32, #tpu.memory_space<hbm>> -> memref<8x128xi32, #tpu.memory_space<hbm>>
      %dma_start3A_192 = arith.constant 0 : i32
      %dma_start3A_193 = arith.constant 0 : i32
      %dma_start3A_194 = tpu.memref_slice %arg6[%dma_start3A_192, %dma_start3A_193] : memref<50x128xi32, #tpu.memory_space<vmem>> -> memref<8x128xi32, #tpu.memory_space<vmem>>
      %dma_start3A_195 = arith.constant 0 : i32
      %dma_start3A_196 = arith.constant 0 : i32
      %dma_start3A_197 = tpu.memref_slice %arg3[%add3A, %dma_start3A_195, %dma_start3A_196] : memref<32x50x128xi32, #tpu.memory_space<hbm>> -> memref<1x8x128xi32, #tpu.memory_space<hbm>>
      %dma_start3A_198 = tpu.memref_squeeze %dma_start3A_197 : memref<1x8x128xi32, #tpu.memory_space<hbm>> -> memref<8x128xi32, #tpu.memory_space<hbm>>
      tpu.enqueue_dma source(%dma_start3A_198 : memref<8x128xi32, #tpu.memory_space<hbm>>) target(%dma_start3A_194 : memref<8x128xi32, #tpu.memory_space<vmem>>) target_semaphore(%run_scoped3A : memref<!tpu.dma_semaphore, #tpu.memory_space<semaphore_mem>>)
      %dma_wait3A_199 = arith.constant 0 : i32
      %dma_wait3A_200 = arith.constant 0 : i32
      %dma_wait3A_201 = tpu.memref_slice %arg6[%dma_wait3A_199, %dma_wait3A_200] : memref<50x128xi32, #tpu.memory_space<vmem>> -> memref<8x128xi32, #tpu.memory_space<vmem>>
      %dma_wait3A_202 = arith.constant 0 : i32
      %dma_wait3A_203 = arith.constant 0 : i32
      %dma_wait3A_204 = tpu.memref_slice %arg3[%add3A, %dma_wait3A_202, %dma_wait3A_203] : memref<32x50x128xi32, #tpu.memory_space<hbm>> -> memref<1x8x128xi32, #tpu.memory_space<hbm>>
      %dma_wait3A_205 = tpu.memref_squeeze %dma_wait3A_204 : memref<1x8x128xi32, #tpu.memory_space<hbm>> -> memref<8x128xi32, #tpu.memory_space<hbm>>
      %dma_wait3A_206 = arith.constant 0 : i32
      %dma_wait3A_207 = arith.constant 0 : i32
      %dma_wait3A_208 = tpu.memref_slice %arg6[%dma_wait3A_206, %dma_wait3A_207] : memref<50x128xi32, #tpu.memory_space<vmem>> -> memref<8x128xi32, #tpu.memory_space<vmem>>
      %dma_wait3A_209 = arith.constant 0 : i32
      %dma_wait3A_210 = arith.constant 0 : i32
      %dma_wait3A_211 = tpu.memref_slice %arg3[%add3A, %dma_wait3A_209, %dma_wait3A_210] : memref<32x50x128xi32, #tpu.memory_space<hbm>> -> memref<1x8x128xi32, #tpu.memory_space<hbm>>
      %dma_wait3A_212 = tpu.memref_squeeze %dma_wait3A_211 : memref<1x8x128xi32, #tpu.memory_space<hbm>> -> memref<8x128xi32, #tpu.memory_space<hbm>>
      tpu.wait_dma2 semaphore(%run_scoped3A : memref<!tpu.dma_semaphore, #tpu.memory_space<semaphore_mem>>) src(%dma_wait3A_212 : memref<8x128xi32, #tpu.memory_space<hbm>>) dst(%dma_wait3A_208 : memref<8x128xi32, #tpu.memory_space<vmem>>)
      tpu.yield
    }) : () -> ()
    %dma_start3A = arith.constant 8 : i32
    %dma_start3A_1 = arith.constant 0 : i32
    %dma_start3A_2 = tpu.memref_slice %arg6[%dma_start3A, %dma_start3A_1] : memref<50x128xi32, #tpu.memory_space<vmem>> -> memref<42x128xi32, #tpu.memory_space<vmem>>
    %dma_start3A_3 = arith.constant 8 : i32
    %dma_start3A_4 = arith.constant 0 : i32
    %dma_start3A_5 = tpu.memref_slice %arg3[%add3A, %dma_start3A_3, %dma_start3A_4] : memref<32x50x128xi32, #tpu.memory_space<hbm>> -> memref<1x42x128xi32, #tpu.memory_space<hbm>>
    %dma_start3A_6 = tpu.memref_squeeze %dma_start3A_5 : memref<1x42x128xi32, #tpu.memory_space<hbm>> -> memref<42x128xi32, #tpu.memory_space<hbm>>
    %dma_start3A_7 = arith.constant 8 : i32
    %dma_start3A_8 = arith.constant 0 : i32
    %dma_start3A_9 = tpu.memref_slice %arg6[%dma_start3A_7, %dma_start3A_8] : memref<50x128xi32, #tpu.memory_space<vmem>> -> memref<42x128xi32, #tpu.memory_space<vmem>>
    %dma_start3A_10 = arith.constant 8 : i32
    %dma_start3A_11 = arith.constant 0 : i32
    %dma_start3A_12 = tpu.memref_slice %arg3[%add3A, %dma_start3A_10, %dma_start3A_11] : memref<32x50x128xi32, #tpu.memory_space<hbm>> -> memref<1x42x128xi32, #tpu.memory_space<hbm>>
    %dma_start3A_13 = tpu.memref_squeeze %dma_start3A_12 : memref<1x42x128xi32, #tpu.memory_space<hbm>> -> memref<42x128xi32, #tpu.memory_space<hbm>>
    tpu.enqueue_dma source(%dma_start3A_13 : memref<42x128xi32, #tpu.memory_space<hbm>>) target(%dma_start3A_9 : memref<42x128xi32, #tpu.memory_space<vmem>>) target_semaphore(%arg11 : memref<!tpu.dma_semaphore, #tpu.memory_space<semaphore_mem>>)
    %mul3A_14 = arith.constant 6400 : i32
    %mul3A_15 = arith.muli %add3A, %mul3A_14 : i32
    %dma_start3A_16 = arith.constant 0 : i32
    %dma_start3A_17 = arith.constant 0 : i32
    %dma_start3A_18 = arith.constant 0 : i32
    %dma_start3A_19 = arith.constant 0 : i32
    %dma_start3A_20 = arith.constant 0 : i32
    %dma_start3A_21 = tpu.memref_slice %arg8[%dma_start3A_17, %dma_start3A_19, %dma_start3A_20] : memref<5x128x128xf32, #tpu.memory_space<vmem>> -> memref<1x128x128xf32, #tpu.memory_space<vmem>>
    %dma_start3A_22 = tpu.memref_squeeze %dma_start3A_21 : memref<1x128x128xf32, #tpu.memory_space<vmem>> -> memref<128x128xf32, #tpu.memory_space<vmem>>
    %dma_start3A_23 = arith.constant 0 : i32
    %dma_start3A_24 = tpu.memref_slice %arg6[%dma_start3A_16, %dma_start3A_23] : memref<50x128xi32, #tpu.memory_space<vmem>> -> memref<1x128xi32, #tpu.memory_space<vmem>>
    %dma_start3A_25 = tpu.memref_squeeze %dma_start3A_24 : memref<1x128xi32, #tpu.memory_space<vmem>> -> memref<128xi32, #tpu.memory_space<vmem>>
    %dma_start3A_26 = arith.constant 0 : i32
    %dma_start3A_27 = arith.constant 0 : i32
    %dma_start3A_28 = tpu.memref_slice %arg2[%dma_start3A_26, %dma_start3A_27] : memref<100000x128xf32, #tpu.memory_space<hbm>> -> memref<100000x128xf32, #tpu.memory_space<hbm>>
    %dma_start3A_29 = tpu.memref_slice %arg9[%dma_start3A_18] : memref<5x!tpu.dma_semaphore, #tpu.memory_space<semaphore_mem>> -> memref<1x!tpu.dma_semaphore, #tpu.memory_space<semaphore_mem>>
    %dma_start3A_30 = tpu.memref_squeeze %dma_start3A_29 : memref<1x!tpu.dma_semaphore, #tpu.memory_space<semaphore_mem>> -> memref<!tpu.dma_semaphore, #tpu.memory_space<semaphore_mem>>
    tpu.enqueue_indirect_dma source(%dma_start3A_28 : memref<100000x128xf32, #tpu.memory_space<hbm>>) target(%dma_start3A_22 : memref<128x128xf32, #tpu.memory_space<vmem>>) offsets(%dma_start3A_25 : memref<128xi32, #tpu.memory_space<vmem>>) semaphore(%dma_start3A_30 : memref<!tpu.dma_semaphore, #tpu.memory_space<semaphore_mem>>)
    %dma_start3A_31 = arith.constant 1 : i32
    %dma_start3A_32 = arith.constant 1 : i32
    %dma_start3A_33 = arith.constant 1 : i32
    %dma_start3A_34 = arith.constant 0 : i32
    %dma_start3A_35 = arith.constant 0 : i32
    %dma_start3A_36 = tpu.memref_slice %arg8[%dma_start3A_32, %dma_start3A_34, %dma_start3A_35] : memref<5x128x128xf32, #tpu.memory_space<vmem>> -> memref<1x128x128xf32, #tpu.memory_space<vmem>>
    %dma_start3A_37 = tpu.memref_squeeze %dma_start3A_36 : memref<1x128x128xf32, #tpu.memory_space<vmem>> -> memref<128x128xf32, #tpu.memory_space<vmem>>
    %dma_start3A_38 = arith.constant 0 : i32
    %dma_start3A_39 = tpu.memref_slice %arg6[%dma_start3A_31, %dma_start3A_38] : memref<50x128xi32, #tpu.memory_space<vmem>> -> memref<1x128xi32, #tpu.memory_space<vmem>>
    %dma_start3A_40 = tpu.memref_squeeze %dma_start3A_39 : memref<1x128xi32, #tpu.memory_space<vmem>> -> memref<128xi32, #tpu.memory_space<vmem>>
    %dma_start3A_41 = arith.constant 0 : i32
    %dma_start3A_42 = arith.constant 0 : i32
    %dma_start3A_43 = tpu.memref_slice %arg2[%dma_start3A_41, %dma_start3A_42] : memref<100000x128xf32, #tpu.memory_space<hbm>> -> memref<100000x128xf32, #tpu.memory_space<hbm>>
    %dma_start3A_44 = tpu.memref_slice %arg9[%dma_start3A_33] : memref<5x!tpu.dma_semaphore, #tpu.memory_space<semaphore_mem>> -> memref<1x!tpu.dma_semaphore, #tpu.memory_space<semaphore_mem>>
    %dma_start3A_45 = tpu.memref_squeeze %dma_start3A_44 : memref<1x!tpu.dma_semaphore, #tpu.memory_space<semaphore_mem>> -> memref<!tpu.dma_semaphore, #tpu.memory_space<semaphore_mem>>
    tpu.enqueue_indirect_dma source(%dma_start3A_43 : memref<100000x128xf32, #tpu.memory_space<hbm>>) target(%dma_start3A_37 : memref<128x128xf32, #tpu.memory_space<vmem>>) offsets(%dma_start3A_40 : memref<128xi32, #tpu.memory_space<vmem>>) semaphore(%dma_start3A_45 : memref<!tpu.dma_semaphore, #tpu.memory_space<semaphore_mem>>)
    %dma_start3A_46 = arith.constant 2 : i32
    %dma_start3A_47 = arith.constant 2 : i32
    %dma_start3A_48 = arith.constant 2 : i32
    %dma_start3A_49 = arith.constant 0 : i32
    %dma_start3A_50 = arith.constant 0 : i32
    %dma_start3A_51 = tpu.memref_slice %arg8[%dma_start3A_47, %dma_start3A_49, %dma_start3A_50] : memref<5x128x128xf32, #tpu.memory_space<vmem>> -> memref<1x128x128xf32, #tpu.memory_space<vmem>>
    %dma_start3A_52 = tpu.memref_squeeze %dma_start3A_51 : memref<1x128x128xf32, #tpu.memory_space<vmem>> -> memref<128x128xf32, #tpu.memory_space<vmem>>
    %dma_start3A_53 = arith.constant 0 : i32
    %dma_start3A_54 = tpu.memref_slice %arg6[%dma_start3A_46, %dma_start3A_53] : memref<50x128xi32, #tpu.memory_space<vmem>> -> memref<1x128xi32, #tpu.memory_space<vmem>>
    %dma_start3A_55 = tpu.memref_squeeze %dma_start3A_54 : memref<1x128xi32, #tpu.memory_space<vmem>> -> memref<128xi32, #tpu.memory_space<vmem>>
    %dma_start3A_56 = arith.constant 0 : i32
    %dma_start3A_57 = arith.constant 0 : i32
    %dma_start3A_58 = tpu.memref_slice %arg2[%dma_start3A_56, %dma_start3A_57] : memref<100000x128xf32, #tpu.memory_space<hbm>> -> memref<100000x128xf32, #tpu.memory_space<hbm>>
    %dma_start3A_59 = tpu.memref_slice %arg9[%dma_start3A_48] : memref<5x!tpu.dma_semaphore, #tpu.memory_space<semaphore_mem>> -> memref<1x!tpu.dma_semaphore, #tpu.memory_space<semaphore_mem>>
    %dma_start3A_60 = tpu.memref_squeeze %dma_start3A_59 : memref<1x!tpu.dma_semaphore, #tpu.memory_space<semaphore_mem>> -> memref<!tpu.dma_semaphore, #tpu.memory_space<semaphore_mem>>
    tpu.enqueue_indirect_dma source(%dma_start3A_58 : memref<100000x128xf32, #tpu.memory_space<hbm>>) target(%dma_start3A_52 : memref<128x128xf32, #tpu.memory_space<vmem>>) offsets(%dma_start3A_55 : memref<128xi32, #tpu.memory_space<vmem>>) semaphore(%dma_start3A_60 : memref<!tpu.dma_semaphore, #tpu.memory_space<semaphore_mem>>)
    %dma_wait3A = arith.constant 8 : i32
    %dma_wait3A_61 = arith.constant 0 : i32
    %dma_wait3A_62 = tpu.memref_slice %arg6[%dma_wait3A, %dma_wait3A_61] : memref<50x128xi32, #tpu.memory_space<vmem>> -> memref<42x128xi32, #tpu.memory_space<vmem>>
    %dma_wait3A_63 = arith.constant 8 : i32
    %dma_wait3A_64 = arith.constant 0 : i32
    %dma_wait3A_65 = tpu.memref_slice %arg3[%add3A, %dma_wait3A_63, %dma_wait3A_64] : memref<32x50x128xi32, #tpu.memory_space<hbm>> -> memref<1x42x128xi32, #tpu.memory_space<hbm>>
    %dma_wait3A_66 = tpu.memref_squeeze %dma_wait3A_65 : memref<1x42x128xi32, #tpu.memory_space<hbm>> -> memref<42x128xi32, #tpu.memory_space<hbm>>
    %dma_wait3A_67 = arith.constant 8 : i32
    %dma_wait3A_68 = arith.constant 0 : i32
    %dma_wait3A_69 = tpu.memref_slice %arg6[%dma_wait3A_67, %dma_wait3A_68] : memref<50x128xi32, #tpu.memory_space<vmem>> -> memref<42x128xi32, #tpu.memory_space<vmem>>
    %dma_wait3A_70 = arith.constant 8 : i32
    %dma_wait3A_71 = arith.constant 0 : i32
    %dma_wait3A_72 = tpu.memref_slice %arg3[%add3A, %dma_wait3A_70, %dma_wait3A_71] : memref<32x50x128xi32, #tpu.memory_space<hbm>> -> memref<1x42x128xi32, #tpu.memory_space<hbm>>
    %dma_wait3A_73 = tpu.memref_squeeze %dma_wait3A_72 : memref<1x42x128xi32, #tpu.memory_space<hbm>> -> memref<42x128xi32, #tpu.memory_space<hbm>>
    tpu.wait_dma2 semaphore(%arg11 : memref<!tpu.dma_semaphore, #tpu.memory_space<semaphore_mem>>) src(%dma_wait3A_73 : memref<42x128xi32, #tpu.memory_space<hbm>>) dst(%dma_wait3A_69 : memref<42x128xi32, #tpu.memory_space<vmem>>)
    %scan3A = arith.constant 0 : i32
    %scan3A_74 = arith.constant 0 : i32
    %scan3A_75 = arith.constant 10 : i32
    %scan3A_76 = arith.addi %scan3A_74, %scan3A_75 : i32
    %scan3A_77 = arith.constant 1 : i32
    scf.for %scan3A_185 = %scan3A_74 to %scan3A_76 step %scan3A_77  : i32 {
      %mul3A_186 = arith.constant 5 : i32
      %mul3A_187 = arith.muli %scan3A_185, %mul3A_186 : i32
      %add3A_188 = arith.constant 0 : i32
      %add3A_189 = arith.addi %mul3A_187, %add3A_188 : i32
      %ge3A = arith.constant 2 : i32
      %ge3A_190 = arith.cmpi sge, %add3A_189, %ge3A : i32
      %add3A_191 = arith.constant 3 : i32
      %add3A_192 = arith.addi %add3A_189, %add3A_191 : i32
      %lt3A = arith.constant 50 : i32
      %lt3A_193 = arith.cmpi slt, %add3A_192, %lt3A : i32
      %and3A = arith.andi %ge3A_190, %lt3A_193 : i1
      %convert_element_type3A = arith.extui %and3A : i1 to i32
      %cond3A = arith.constant 0 : i32
      %cond3A_194 = arith.cmpi ne, %convert_element_type3A, %cond3A : i32
      scf.if %cond3A_194 {
        %add3A_1125 = arith.constant 3 : i32
        %add3A_1126 = arith.addi %add3A_189, %add3A_1125 : i32
        %sub3A = arith.constant 5 : i32
        %sub3A_1127 = arith.subi %add3A_1126, %sub3A : i32
        %mul3A_1128 = arith.constant 128 : i32
        %mul3A_1129 = arith.muli %sub3A_1127, %mul3A_1128 : i32
        %add3A_1130 = arith.addi %mul3A_15, %mul3A_1129 : i32
        %dma_wait3A_1131 = arith.constant 3 : i32
        %dma_wait3A_1132 = arith.constant 3 : i32
        %dma_wait3A_1133 = arith.constant 0 : i32
        %dma_wait3A_1134 = arith.constant 0 : i32
        %dma_wait3A_1135 = tpu.memref_slice %arg8[%dma_wait3A_1131, %dma_wait3A_1133, %dma_wait3A_1134] : memref<5x128x128xf32, #tpu.memory_space<vmem>> -> memref<1x128x128xf32, #tpu.memory_space<vmem>>
        %dma_wait3A_1136 = tpu.memref_squeeze %dma_wait3A_1135 : memref<1x128x128xf32, #tpu.memory_space<vmem>> -> memref<128x128xf32, #tpu.memory_space<vmem>>
        %dma_wait3A_1137 = arith.constant 0 : i32
        %dma_wait3A_1138 = tpu.memref_slice %arg4[%add3A_1130, %dma_wait3A_1137] : memref<204800x128xf32, #tpu.memory_space<hbm>> -> memref<128x128xf32, #tpu.memory_space<hbm>>
        %dma_wait3A_1139 = tpu.memref_slice %arg10[%dma_wait3A_1132] : memref<5x!tpu.dma_semaphore, #tpu.memory_space<semaphore_mem>> -> memref<1x!tpu.dma_semaphore, #tpu.memory_space<semaphore_mem>>
        %dma_wait3A_1140 = tpu.memref_squeeze %dma_wait3A_1139 : memref<1x!tpu.dma_semaphore, #tpu.memory_space<semaphore_mem>> -> memref<!tpu.dma_semaphore, #tpu.memory_space<semaphore_mem>>
        %dma_wait3A_1141 = arith.constant 0 : i32
        %dma_wait3A_1142 = tpu.memref_slice %arg4[%add3A_1130, %dma_wait3A_1141] : memref<204800x128xf32, #tpu.memory_space<hbm>> -> memref<128x128xf32, #tpu.memory_space<hbm>>
        %dma_wait3A_1143 = arith.constant 0 : i32
        %dma_wait3A_1144 = arith.constant 0 : i32
        %dma_wait3A_1145 = tpu.memref_slice %arg8[%dma_wait3A_1131, %dma_wait3A_1143, %dma_wait3A_1144] : memref<5x128x128xf32, #tpu.memory_space<vmem>> -> memref<1x128x128xf32, #tpu.memory_space<vmem>>
        %dma_wait3A_1146 = tpu.memref_squeeze %dma_wait3A_1145 : memref<1x128x128xf32, #tpu.memory_space<vmem>> -> memref<128x128xf32, #tpu.memory_space<vmem>>
        tpu.wait_dma2 semaphore(%dma_wait3A_1140 : memref<!tpu.dma_semaphore, #tpu.memory_space<semaphore_mem>>) src(%dma_wait3A_1146 : memref<128x128xf32, #tpu.memory_space<vmem>>) dst(%dma_wait3A_1142 : memref<128x128xf32, #tpu.memory_space<hbm>>)
      } else {
      }
      %add3A_195 = arith.constant 3 : i32
      %add3A_196 = arith.addi %add3A_189, %add3A_195 : i32
      %lt3A_197 = arith.constant 50 : i32
      %lt3A_198 = arith.cmpi slt, %add3A_196, %lt3A_197 : i32
      %convert_element_type3A_199 = arith.extui %lt3A_198 : i1 to i32
      %cond3A_200 = arith.constant 0 : i32
      %cond3A_201 = arith.cmpi ne, %convert_element_type3A_199, %cond3A_200 : i32
      scf.if %cond3A_201 {
        %add3A_1125 = arith.constant 3 : i32
        %add3A_1126 = arith.addi %add3A_189, %add3A_1125 : i32
        %dma_start3A_1127 = arith.constant 3 : i32
        %dma_start3A_1128 = arith.constant 3 : i32
        %dma_start3A_1129 = arith.constant 0 : i32
        %dma_start3A_1130 = arith.constant 0 : i32
        %dma_start3A_1131 = tpu.memref_slice %arg8[%dma_start3A_1127, %dma_start3A_1129, %dma_start3A_1130] : memref<5x128x128xf32, #tpu.memory_space<vmem>> -> memref<1x128x128xf32, #tpu.memory_space<vmem>>
        %dma_start3A_1132 = tpu.memref_squeeze %dma_start3A_1131 : memref<1x128x128xf32, #tpu.memory_space<vmem>> -> memref<128x128xf32, #tpu.memory_space<vmem>>
        %dma_start3A_1133 = arith.constant 0 : i32
        %dma_start3A_1134 = tpu.memref_slice %arg6[%add3A_1126, %dma_start3A_1133] : memref<50x128xi32, #tpu.memory_space<vmem>> -> memref<1x128xi32, #tpu.memory_space<vmem>>
        %dma_start3A_1135 = tpu.memref_squeeze %dma_start3A_1134 : memref<1x128xi32, #tpu.memory_space<vmem>> -> memref<128xi32, #tpu.memory_space<vmem>>
        %dma_start3A_1136 = arith.constant 0 : i32
        %dma_start3A_1137 = arith.constant 0 : i32
        %dma_start3A_1138 = tpu.memref_slice %arg2[%dma_start3A_1136, %dma_start3A_1137] : memref<100000x128xf32, #tpu.memory_space<hbm>> -> memref<100000x128xf32, #tpu.memory_space<hbm>>
        %dma_start3A_1139 = tpu.memref_slice %arg9[%dma_start3A_1128] : memref<5x!tpu.dma_semaphore, #tpu.memory_space<semaphore_mem>> -> memref<1x!tpu.dma_semaphore, #tpu.memory_space<semaphore_mem>>
        %dma_start3A_1140 = tpu.memref_squeeze %dma_start3A_1139 : memref<1x!tpu.dma_semaphore, #tpu.memory_space<semaphore_mem>> -> memref<!tpu.dma_semaphore, #tpu.memory_space<semaphore_mem>>
        tpu.enqueue_indirect_dma source(%dma_start3A_1138 : memref<100000x128xf32, #tpu.memory_space<hbm>>) target(%dma_start3A_1132 : memref<128x128xf32, #tpu.memory_space<vmem>>) offsets(%dma_start3A_1135 : memref<128xi32, #tpu.memory_space<vmem>>) semaphore(%dma_start3A_1140 : memref<!tpu.dma_semaphore, #tpu.memory_space<semaphore_mem>>)
      } else {
      }
      %get3A = arith.index_cast %add3A_189 : i32 to index
      %get3A_202 = arith.constant 0 : index
      %get3A_203 = tpu.vector_load %arg6[%get3A, %get3A_202] {strides = array<i32>} : memref<50x128xi32, #tpu.memory_space<vmem>>, vector<1x16xi32>,
      %get3A_204 = vector.shape_cast %get3A_203 : vector<1x16xi32> to vector<16xi32>
      %ne3A = arith.constant 0 : i32
      %ne3A_205 = vector.broadcast %ne3A : i32 to vector<16xi32>
      %ne3A_206 = arith.cmpi ne, %get3A_204, %ne3A_205 : vector<16xi32>
      %jit3A = arith.constant 1.000000e+00 : f32
      %jit3A_207 = arith.constant 0.000000e+00 : f32
      %broadcast_in_dim3A = vector.broadcast %jit3A : f32 to vector<16xf32>
      %broadcast_in_dim3A_208 = vector.broadcast %jit3A_207 : f32 to vector<16xf32>
      %select_n3A = arith.select %ne3A_206, %broadcast_in_dim3A, %broadcast_in_dim3A_208 : vector<16xi1>, vector<16xf32>
      %swap3A = arith.index_cast %add3A_189 : i32 to index
      %swap3A_209 = arith.constant 0 : index
      %swap3A_210 = tpu.vector_load %arg7[%swap3A, %swap3A_209] {strides = array<i32>} : memref<50x128xf32, #tpu.memory_space<vmem>>, vector<1x16xf32>,
      %swap3A_211 = vector.shape_cast %swap3A_210 : vector<1x16xf32> to vector<16xf32>
      %swap3A_212 = vector.shape_cast %select_n3A : vector<16xf32> to vector<1x16xf32>
      tpu.vector_store %arg7[%swap3A, %swap3A_209], %swap3A_212 {strides = array<i32>} : memref<50x128xf32, #tpu.memory_space<vmem>>, vector<1x16xf32>,
      %get3A_213 = arith.index_cast %add3A_189 : i32 to index
      %get3A_214 = arith.constant 16 : index
      %get3A_215 = tpu.vector_load %arg6[%get3A_213, %get3A_214] {strides = array<i32>} : memref<50x128xi32, #tpu.memory_space<vmem>>, vector<1x16xi32>,
      %get3A_216 = vector.shape_cast %get3A_215 : vector<1x16xi32> to vector<16xi32>
      %ne3A_217 = arith.constant 0 : i32
      %ne3A_218 = vector.broadcast %ne3A_217 : i32 to vector<16xi32>
      %ne3A_219 = arith.cmpi ne, %get3A_216, %ne3A_218 : vector<16xi32>
      %jit3A_220 = arith.constant 1.000000e+00 : f32
      %jit3A_221 = arith.constant 0.000000e+00 : f32
      %broadcast_in_dim3A_222 = vector.broadcast %jit3A_220 : f32 to vector<16xf32>
      %broadcast_in_dim3A_223 = vector.broadcast %jit3A_221 : f32 to vector<16xf32>
      %select_n3A_224 = arith.select %ne3A_219, %broadcast_in_dim3A_222, %broadcast_in_dim3A_223 : vector<16xi1>, vector<16xf32>
      %swap3A_225 = arith.index_cast %add3A_189 : i32 to index
      %swap3A_226 = arith.constant 16 : index
      %swap3A_227 = tpu.vector_load %arg7[%swap3A_225, %swap3A_226] {strides = array<i32>} : memref<50x128xf32, #tpu.memory_space<vmem>>, vector<1x16xf32>,
      %swap3A_228 = vector.shape_cast %swap3A_227 : vector<1x16xf32> to vector<16xf32>
      %swap3A_229 = vector.shape_cast %select_n3A_224 : vector<16xf32> to vector<1x16xf32>
      tpu.vector_store %arg7[%swap3A_225, %swap3A_226], %swap3A_229 {strides = array<i32>} : memref<50x128xf32, #tpu.memory_space<vmem>>, vector<1x16xf32>,
      %get3A_230 = arith.index_cast %add3A_189 : i32 to index
      %get3A_231 = arith.constant 32 : index
      %get3A_232 = tpu.vector_load %arg6[%get3A_230, %get3A_231] {strides = array<i32>} : memref<50x128xi32, #tpu.memory_space<vmem>>, vector<1x16xi32>,
      %get3A_233 = vector.shape_cast %get3A_232 : vector<1x16xi32> to vector<16xi32>
      %ne3A_234 = arith.constant 0 : i32
      %ne3A_235 = vector.broadcast %ne3A_234 : i32 to vector<16xi32>
      %ne3A_236 = arith.cmpi ne, %get3A_233, %ne3A_235 : vector<16xi32>
      %jit3A_237 = arith.constant 1.000000e+00 : f32
      %jit3A_238 = arith.constant 0.000000e+00 : f32
      %broadcast_in_dim3A_239 = vector.broadcast %jit3A_237 : f32 to vector<16xf32>
      %broadcast_in_dim3A_240 = vector.broadcast %jit3A_238 : f32 to vector<16xf32>
      %select_n3A_241 = arith.select %ne3A_236, %broadcast_in_dim3A_239, %broadcast_in_dim3A_240 : vector<16xi1>, vector<16xf32>
      %swap3A_242 = arith.index_cast %add3A_189 : i32 to index
      %swap3A_243 = arith.constant 32 : index
      %swap3A_244 = tpu.vector_load %arg7[%swap3A_242, %swap3A_243] {strides = array<i32>} : memref<50x128xf32, #tpu.memory_space<vmem>>, vector<1x16xf32>,
      %swap3A_245 = vector.shape_cast %swap3A_244 : vector<1x16xf32> to vector<16xf32>
      %swap3A_246 = vector.shape_cast %select_n3A_241 : vector<16xf32> to vector<1x16xf32>
      tpu.vector_store %arg7[%swap3A_242, %swap3A_243], %swap3A_246 {strides = array<i32>} : memref<50x128xf32, #tpu.memory_space<vmem>>, vector<1x16xf32>,
      %get3A_247 = arith.index_cast %add3A_189 : i32 to index
      %get3A_248 = arith.constant 48 : index
      %get3A_249 = tpu.vector_load %arg6[%get3A_247, %get3A_248] {strides = array<i32>} : memref<50x128xi32, #tpu.memory_space<vmem>>, vector<1x16xi32>,
      %get3A_250 = vector.shape_cast %get3A_249 : vector<1x16xi32> to vector<16xi32>
      %ne3A_251 = arith.constant 0 : i32
      %ne3A_252 = vector.broadcast %ne3A_251 : i32 to vector<16xi32>
      %ne3A_253 = arith.cmpi ne, %get3A_250, %ne3A_252 : vector<16xi32>
      %jit3A_254 = arith.constant 1.000000e+00 : f32
      %jit3A_255 = arith.constant 0.000000e+00 : f32
      %broadcast_in_dim3A_256 = vector.broadcast %jit3A_254 : f32 to vector<16xf32>
      %broadcast_in_dim3A_257 = vector.broadcast %jit3A_255 : f32 to vector<16xf32>
      %select_n3A_258 = arith.select %ne3A_253, %broadcast_in_dim3A_256, %broadcast_in_dim3A_257 : vector<16xi1>, vector<16xf32>
      %swap3A_259 = arith.index_cast %add3A_189 : i32 to index
      %swap3A_260 = arith.constant 48 : index
      %swap3A_261 = tpu.vector_load %arg7[%swap3A_259, %swap3A_260] {strides = array<i32>} : memref<50x128xf32, #tpu.memory_space<vmem>>, vector<1x16xf32>,
      %swap3A_262 = vector.shape_cast %swap3A_261 : vector<1x16xf32> to vector<16xf32>
      %swap3A_263 = vector.shape_cast %select_n3A_258 : vector<16xf32> to vector<1x16xf32>
      tpu.vector_store %arg7[%swap3A_259, %swap3A_260], %swap3A_263 {strides = array<i32>} : memref<50x128xf32, #tpu.memory_space<vmem>>, vector<1x16xf32>,
      %get3A_264 = arith.index_cast %add3A_189 : i32 to index
      %get3A_265 = arith.constant 64 : index
      %get3A_266 = tpu.vector_load %arg6[%get3A_264, %get3A_265] {strides = array<i32>} : memref<50x128xi32, #tpu.memory_space<vmem>>, vector<1x16xi32>,
      %get3A_267 = vector.shape_cast %get3A_266 : vector<1x16xi32> to vector<16xi32>
      %ne3A_268 = arith.constant 0 : i32
      %ne3A_269 = vector.broadcast %ne3A_268 : i32 to vector<16xi32>
      %ne3A_270 = arith.cmpi ne, %get3A_267, %ne3A_269 : vector<16xi32>
      %jit3A_271 = arith.constant 1.000000e+00 : f32
      %jit3A_272 = arith.constant 0.000000e+00 : f32
      %broadcast_in_dim3A_273 = vector.broadcast %jit3A_271 : f32 to vector<16xf32>
      %broadcast_in_dim3A_274 = vector.broadcast %jit3A_272 : f32 to vector<16xf32>
      %select_n3A_275 = arith.select %ne3A_270, %broadcast_in_dim3A_273, %broadcast_in_dim3A_274 : vector<16xi1>, vector<16xf32>
      %swap3A_276 = arith.index_cast %add3A_189 : i32 to index
      %swap3A_277 = arith.constant 64 : index
      %swap3A_278 = tpu.vector_load %arg7[%swap3A_276, %swap3A_277] {strides = array<i32>} : memref<50x128xf32, #tpu.memory_space<vmem>>, vector<1x16xf32>,
      %swap3A_279 = vector.shape_cast %swap3A_278 : vector<1x16xf32> to vector<16xf32>
      %swap3A_280 = vector.shape_cast %select_n3A_275 : vector<16xf32> to vector<1x16xf32>
      tpu.vector_store %arg7[%swap3A_276, %swap3A_277], %swap3A_280 {strides = array<i32>} : memref<50x128xf32, #tpu.memory_space<vmem>>, vector<1x16xf32>,
      %get3A_281 = arith.index_cast %add3A_189 : i32 to index
      %get3A_282 = arith.constant 80 : index
      %get3A_283 = tpu.vector_load %arg6[%get3A_281, %get3A_282] {strides = array<i32>} : memref<50x128xi32, #tpu.memory_space<vmem>>, vector<1x16xi32>,
      %get3A_284 = vector.shape_cast %get3A_283 : vector<1x16xi32> to vector<16xi32>
      %ne3A_285 = arith.constant 0 : i32
      %ne3A_286 = vector.broadcast %ne3A_285 : i32 to vector<16xi32>
      %ne3A_287 = arith.cmpi ne, %get3A_284, %ne3A_286 : vector<16xi32>
      %jit3A_288 = arith.constant 1.000000e+00 : f32
      %jit3A_289 = arith.constant 0.000000e+00 : f32
      %broadcast_in_dim3A_290 = vector.broadcast %jit3A_288 : f32 to vector<16xf32>
      %broadcast_in_dim3A_291 = vector.broadcast %jit3A_289 : f32 to vector<16xf32>
      %select_n3A_292 = arith.select %ne3A_287, %broadcast_in_dim3A_290, %broadcast_in_dim3A_291 : vector<16xi1>, vector<16xf32>
      %swap3A_293 = arith.index_cast %add3A_189 : i32 to index
      %swap3A_294 = arith.constant 80 : index
      %swap3A_295 = tpu.vector_load %arg7[%swap3A_293, %swap3A_294] {strides = array<i32>} : memref<50x128xf32, #tpu.memory_space<vmem>>, vector<1x16xf32>,
      %swap3A_296 = vector.shape_cast %swap3A_295 : vector<1x16xf32> to vector<16xf32>
      %swap3A_297 = vector.shape_cast %select_n3A_292 : vector<16xf32> to vector<1x16xf32>
      tpu.vector_store %arg7[%swap3A_293, %swap3A_294], %swap3A_297 {strides = array<i32>} : memref<50x128xf32, #tpu.memory_space<vmem>>, vector<1x16xf32>,
      %get3A_298 = arith.index_cast %add3A_189 : i32 to index
      %get3A_299 = arith.constant 96 : index
      %get3A_300 = tpu.vector_load %arg6[%get3A_298, %get3A_299] {strides = array<i32>} : memref<50x128xi32, #tpu.memory_space<vmem>>, vector<1x16xi32>,
      %get3A_301 = vector.shape_cast %get3A_300 : vector<1x16xi32> to vector<16xi32>
      %ne3A_302 = arith.constant 0 : i32
      %ne3A_303 = vector.broadcast %ne3A_302 : i32 to vector<16xi32>
      %ne3A_304 = arith.cmpi ne, %get3A_301, %ne3A_303 : vector<16xi32>
      %jit3A_305 = arith.constant 1.000000e+00 : f32
      %jit3A_306 = arith.constant 0.000000e+00 : f32
      %broadcast_in_dim3A_307 = vector.broadcast %jit3A_305 : f32 to vector<16xf32>
      %broadcast_in_dim3A_308 = vector.broadcast %jit3A_306 : f32 to vector<16xf32>
      %select_n3A_309 = arith.select %ne3A_304, %broadcast_in_dim3A_307, %broadcast_in_dim3A_308 : vector<16xi1>, vector<16xf32>
      %swap3A_310 = arith.index_cast %add3A_189 : i32 to index
      %swap3A_311 = arith.constant 96 : index
      %swap3A_312 = tpu.vector_load %arg7[%swap3A_310, %swap3A_311] {strides = array<i32>} : memref<50x128xf32, #tpu.memory_space<vmem>>, vector<1x16xf32>,
      %swap3A_313 = vector.shape_cast %swap3A_312 : vector<1x16xf32> to vector<16xf32>
      %swap3A_314 = vector.shape_cast %select_n3A_309 : vector<16xf32> to vector<1x16xf32>
      tpu.vector_store %arg7[%swap3A_310, %swap3A_311], %swap3A_314 {strides = array<i32>} : memref<50x128xf32, #tpu.memory_space<vmem>>, vector<1x16xf32>,
      %get3A_315 = arith.index_cast %add3A_189 : i32 to index
      %get3A_316 = arith.constant 112 : index
      %get3A_317 = tpu.vector_load %arg6[%get3A_315, %get3A_316] {strides = array<i32>} : memref<50x128xi32, #tpu.memory_space<vmem>>, vector<1x16xi32>,
      %get3A_318 = vector.shape_cast %get3A_317 : vector<1x16xi32> to vector<16xi32>
      %ne3A_319 = arith.constant 0 : i32
      %ne3A_320 = vector.broadcast %ne3A_319 : i32 to vector<16xi32>
      %ne3A_321 = arith.cmpi ne, %get3A_318, %ne3A_320 : vector<16xi32>
      %jit3A_322 = arith.constant 1.000000e+00 : f32
      %jit3A_323 = arith.constant 0.000000e+00 : f32
      %broadcast_in_dim3A_324 = vector.broadcast %jit3A_322 : f32 to vector<16xf32>
      %broadcast_in_dim3A_325 = vector.broadcast %jit3A_323 : f32 to vector<16xf32>
      %select_n3A_326 = arith.select %ne3A_321, %broadcast_in_dim3A_324, %broadcast_in_dim3A_325 : vector<16xi1>, vector<16xf32>
      %swap3A_327 = arith.index_cast %add3A_189 : i32 to index
      %swap3A_328 = arith.constant 112 : index
      %swap3A_329 = tpu.vector_load %arg7[%swap3A_327, %swap3A_328] {strides = array<i32>} : memref<50x128xf32, #tpu.memory_space<vmem>>, vector<1x16xf32>,
      %swap3A_330 = vector.shape_cast %swap3A_329 : vector<1x16xf32> to vector<16xf32>
      %swap3A_331 = vector.shape_cast %select_n3A_326 : vector<16xf32> to vector<1x16xf32>
      tpu.vector_store %arg7[%swap3A_327, %swap3A_328], %swap3A_331 {strides = array<i32>} : memref<50x128xf32, #tpu.memory_space<vmem>>, vector<1x16xf32>,
      %dma_wait3A_332 = arith.constant 0 : i32
      %dma_wait3A_333 = arith.constant 0 : i32
      %dma_wait3A_334 = arith.constant 0 : i32
      %dma_wait3A_335 = arith.constant 0 : i32
      %dma_wait3A_336 = tpu.memref_slice %arg8[%dma_wait3A_332, %dma_wait3A_334, %dma_wait3A_335] : memref<5x128x128xf32, #tpu.memory_space<vmem>> -> memref<1x128x128xf32, #tpu.memory_space<vmem>>
      %dma_wait3A_337 = tpu.memref_squeeze %dma_wait3A_336 : memref<1x128x128xf32, #tpu.memory_space<vmem>> -> memref<128x128xf32, #tpu.memory_space<vmem>>
      %dma_wait3A_338 = arith.constant 0 : i32
      %dma_wait3A_339 = tpu.memref_slice %arg6[%add3A_189, %dma_wait3A_338] : memref<50x128xi32, #tpu.memory_space<vmem>> -> memref<1x128xi32, #tpu.memory_space<vmem>>
      %dma_wait3A_340 = tpu.memref_squeeze %dma_wait3A_339 : memref<1x128xi32, #tpu.memory_space<vmem>> -> memref<128xi32, #tpu.memory_space<vmem>>
      %dma_wait3A_341 = arith.constant 0 : i32
      %dma_wait3A_342 = arith.constant 0 : i32
      %dma_wait3A_343 = tpu.memref_slice %arg2[%dma_wait3A_341, %dma_wait3A_342] : memref<100000x128xf32, #tpu.memory_space<hbm>> -> memref<100000x128xf32, #tpu.memory_space<hbm>>
      %dma_wait3A_344 = tpu.memref_slice %arg9[%dma_wait3A_333] : memref<5x!tpu.dma_semaphore, #tpu.memory_space<semaphore_mem>> -> memref<1x!tpu.dma_semaphore, #tpu.memory_space<semaphore_mem>>
      %dma_wait3A_345 = tpu.memref_squeeze %dma_wait3A_344 : memref<1x!tpu.dma_semaphore, #tpu.memory_space<semaphore_mem>> -> memref<!tpu.dma_semaphore, #tpu.memory_space<semaphore_mem>>
      tpu.wait_indirect_dma semaphore(%dma_wait3A_345 : memref<!tpu.dma_semaphore, #tpu.memory_space<semaphore_mem>>) src(%dma_wait3A_343 : memref<100000x128xf32, #tpu.memory_space<hbm>>) dst(%dma_wait3A_337 : memref<128x128xf32, #tpu.memory_space<vmem>>)
      %mul3A_346 = arith.constant 128 : i32
      %mul3A_347 = arith.muli %add3A_189, %mul3A_346 : i32
      %add3A_348 = arith.addi %mul3A_15, %mul3A_347 : i32
      %dma_start3A_349 = arith.constant 0 : i32
      %dma_start3A_350 = arith.constant 0 : i32
      %dma_start3A_351 = arith.constant 0 : i32
      %dma_start3A_352 = arith.constant 0 : i32
      %dma_start3A_353 = tpu.memref_slice %arg8[%dma_start3A_349, %dma_start3A_351, %dma_start3A_352] : memref<5x128x128xf32, #tpu.memory_space<vmem>> -> memref<1x128x128xf32, #tpu.memory_space<vmem>>
      %dma_start3A_354 = tpu.memref_squeeze %dma_start3A_353 : memref<1x128x128xf32, #tpu.memory_space<vmem>> -> memref<128x128xf32, #tpu.memory_space<vmem>>
      %dma_start3A_355 = arith.constant 0 : i32
      %dma_start3A_356 = tpu.memref_slice %arg4[%add3A_348, %dma_start3A_355] : memref<204800x128xf32, #tpu.memory_space<hbm>> -> memref<128x128xf32, #tpu.memory_space<hbm>>
      %dma_start3A_357 = tpu.memref_slice %arg10[%dma_start3A_350] : memref<5x!tpu.dma_semaphore, #tpu.memory_space<semaphore_mem>> -> memref<1x!tpu.dma_semaphore, #tpu.memory_space<semaphore_mem>>
      %dma_start3A_358 = tpu.memref_squeeze %dma_start3A_357 : memref<1x!tpu.dma_semaphore, #tpu.memory_space<semaphore_mem>> -> memref<!tpu.dma_semaphore, #tpu.memory_space<semaphore_mem>>
      %dma_start3A_359 = arith.constant 0 : i32
      %dma_start3A_360 = tpu.memref_slice %arg4[%add3A_348, %dma_start3A_359] : memref<204800x128xf32, #tpu.memory_space<hbm>> -> memref<128x128xf32, #tpu.memory_space<hbm>>
      %dma_start3A_361 = arith.constant 0 : i32
      %dma_start3A_362 = arith.constant 0 : i32
      %dma_start3A_363 = tpu.memref_slice %arg8[%dma_start3A_349, %dma_start3A_361, %dma_start3A_362] : memref<5x128x128xf32, #tpu.memory_space<vmem>> -> memref<1x128x128xf32, #tpu.memory_space<vmem>>
      %dma_start3A_364 = tpu.memref_squeeze %dma_start3A_363 : memref<1x128x128xf32, #tpu.memory_space<vmem>> -> memref<128x128xf32, #tpu.memory_space<vmem>>
      tpu.enqueue_dma source(%dma_start3A_364 : memref<128x128xf32, #tpu.memory_space<vmem>>) target(%dma_start3A_360 : memref<128x128xf32, #tpu.memory_space<hbm>>) target_semaphore(%dma_start3A_358 : memref<!tpu.dma_semaphore, #tpu.memory_space<semaphore_mem>>)
      %mul3A_365 = arith.constant 5 : i32
      %mul3A_366 = arith.muli %scan3A_185, %mul3A_365 : i32
      %add3A_367 = arith.constant 1 : i32
      %add3A_368 = arith.addi %mul3A_366, %add3A_367 : i32
      %ge3A_369 = arith.constant 2 : i32
      %ge3A_370 = arith.cmpi sge, %add3A_368, %ge3A_369 : i32
      %add3A_371 = arith.constant 3 : i32
      %add3A_372 = arith.addi %add3A_368, %add3A_371 : i32
      %lt3A_373 = arith.constant 50 : i32
      %lt3A_374 = arith.cmpi slt, %add3A_372, %lt3A_373 : i32
      %and3A_375 = arith.andi %ge3A_370, %lt3A_374 : i1
      %convert_element_type3A_376 = arith.extui %and3A_375 : i1 to i32
      %cond3A_377 = arith.constant 0 : i32
      %cond3A_378 = arith.cmpi ne, %convert_element_type3A_376, %cond3A_377 : i32
      scf.if %cond3A_378 {
        %add3A_1125 = arith.constant 3 : i32
        %add3A_1126 = arith.addi %add3A_368, %add3A_1125 : i32
        %sub3A = arith.constant 5 : i32
        %sub3A_1127 = arith.subi %add3A_1126, %sub3A : i32
        %mul3A_1128 = arith.constant 128 : i32
        %mul3A_1129 = arith.muli %sub3A_1127, %mul3A_1128 : i32
        %add3A_1130 = arith.addi %mul3A_15, %mul3A_1129 : i32
        %dma_wait3A_1131 = arith.constant 4 : i32
        %dma_wait3A_1132 = arith.constant 4 : i32
        %dma_wait3A_1133 = arith.constant 0 : i32
        %dma_wait3A_1134 = arith.constant 0 : i32
        %dma_wait3A_1135 = tpu.memref_slice %arg8[%dma_wait3A_1131, %dma_wait3A_1133, %dma_wait3A_1134] : memref<5x128x128xf32, #tpu.memory_space<vmem>> -> memref<1x128x128xf32, #tpu.memory_space<vmem>>
        %dma_wait3A_1136 = tpu.memref_squeeze %dma_wait3A_1135 : memref<1x128x128xf32, #tpu.memory_space<vmem>> -> memref<128x128xf32, #tpu.memory_space<vmem>>
        %dma_wait3A_1137 = arith.constant 0 : i32
        %dma_wait3A_1138 = tpu.memref_slice %arg4[%add3A_1130, %dma_wait3A_1137] : memref<204800x128xf32, #tpu.memory_space<hbm>> -> memref<128x128xf32, #tpu.memory_space<hbm>>
        %dma_wait3A_1139 = tpu.memref_slice %arg10[%dma_wait3A_1132] : memref<5x!tpu.dma_semaphore, #tpu.memory_space<semaphore_mem>> -> memref<1x!tpu.dma_semaphore, #tpu.memory_space<semaphore_mem>>
        %dma_wait3A_1140 = tpu.memref_squeeze %dma_wait3A_1139 : memref<1x!tpu.dma_semaphore, #tpu.memory_space<semaphore_mem>> -> memref<!tpu.dma_semaphore, #tpu.memory_space<semaphore_mem>>
        %dma_wait3A_1141 = arith.constant 0 : i32
        %dma_wait3A_1142 = tpu.memref_slice %arg4[%add3A_1130, %dma_wait3A_1141] : memref<204800x128xf32, #tpu.memory_space<hbm>> -> memref<128x128xf32, #tpu.memory_space<hbm>>
        %dma_wait3A_1143 = arith.constant 0 : i32
        %dma_wait3A_1144 = arith.constant 0 : i32
        %dma_wait3A_1145 = tpu.memref_slice %arg8[%dma_wait3A_1131, %dma_wait3A_1143, %dma_wait3A_1144] : memref<5x128x128xf32, #tpu.memory_space<vmem>> -> memref<1x128x128xf32, #tpu.memory_space<vmem>>
        %dma_wait3A_1146 = tpu.memref_squeeze %dma_wait3A_1145 : memref<1x128x128xf32, #tpu.memory_space<vmem>> -> memref<128x128xf32, #tpu.memory_space<vmem>>
        tpu.wait_dma2 semaphore(%dma_wait3A_1140 : memref<!tpu.dma_semaphore, #tpu.memory_space<semaphore_mem>>) src(%dma_wait3A_1146 : memref<128x128xf32, #tpu.memory_space<vmem>>) dst(%dma_wait3A_1142 : memref<128x128xf32, #tpu.memory_space<hbm>>)
      } else {
      }
      %add3A_379 = arith.constant 3 : i32
      %add3A_380 = arith.addi %add3A_368, %add3A_379 : i32
      %lt3A_381 = arith.constant 50 : i32
      %lt3A_382 = arith.cmpi slt, %add3A_380, %lt3A_381 : i32
      %convert_element_type3A_383 = arith.extui %lt3A_382 : i1 to i32
      %cond3A_384 = arith.constant 0 : i32
      %cond3A_385 = arith.cmpi ne, %convert_element_type3A_383, %cond3A_384 : i32
      scf.if %cond3A_385 {
        %add3A_1125 = arith.constant 3 : i32
        %add3A_1126 = arith.addi %add3A_368, %add3A_1125 : i32
        %dma_start3A_1127 = arith.constant 4 : i32
        %dma_start3A_1128 = arith.constant 4 : i32
        %dma_start3A_1129 = arith.constant 0 : i32
        %dma_start3A_1130 = arith.constant 0 : i32
        %dma_start3A_1131 = tpu.memref_slice %arg8[%dma_start3A_1127, %dma_start3A_1129, %dma_start3A_1130] : memref<5x128x128xf32, #tpu.memory_space<vmem>> -> memref<1x128x128xf32, #tpu.memory_space<vmem>>
        %dma_start3A_1132 = tpu.memref_squeeze %dma_start3A_1131 : memref<1x128x128xf32, #tpu.memory_space<vmem>> -> memref<128x128xf32, #tpu.memory_space<vmem>>
        %dma_start3A_1133 = arith.constant 0 : i32
        %dma_start3A_1134 = tpu.memref_slice %arg6[%add3A_1126, %dma_start3A_1133] : memref<50x128xi32, #tpu.memory_space<vmem>> -> memref<1x128xi32, #tpu.memory_space<vmem>>
        %dma_start3A_1135 = tpu.memref_squeeze %dma_start3A_1134 : memref<1x128xi32, #tpu.memory_space<vmem>> -> memref<128xi32, #tpu.memory_space<vmem>>
        %dma_start3A_1136 = arith.constant 0 : i32
        %dma_start3A_1137 = arith.constant 0 : i32
        %dma_start3A_1138 = tpu.memref_slice %arg2[%dma_start3A_1136, %dma_start3A_1137] : memref<100000x128xf32, #tpu.memory_space<hbm>> -> memref<100000x128xf32, #tpu.memory_space<hbm>>
        %dma_start3A_1139 = tpu.memref_slice %arg9[%dma_start3A_1128] : memref<5x!tpu.dma_semaphore, #tpu.memory_space<semaphore_mem>> -> memref<1x!tpu.dma_semaphore, #tpu.memory_space<semaphore_mem>>
        %dma_start3A_1140 = tpu.memref_squeeze %dma_start3A_1139 : memref<1x!tpu.dma_semaphore, #tpu.memory_space<semaphore_mem>> -> memref<!tpu.dma_semaphore, #tpu.memory_space<semaphore_mem>>
        tpu.enqueue_indirect_dma source(%dma_start3A_1138 : memref<100000x128xf32, #tpu.memory_space<hbm>>) target(%dma_start3A_1132 : memref<128x128xf32, #tpu.memory_space<vmem>>) offsets(%dma_start3A_1135 : memref<128xi32, #tpu.memory_space<vmem>>) semaphore(%dma_start3A_1140 : memref<!tpu.dma_semaphore, #tpu.memory_space<semaphore_mem>>)
      } else {
      }
      %get3A_386 = arith.index_cast %add3A_368 : i32 to index
      %get3A_387 = arith.constant 0 : index
      %get3A_388 = tpu.vector_load %arg6[%get3A_386, %get3A_387] {strides = array<i32>} : memref<50x128xi32, #tpu.memory_space<vmem>>, vector<1x16xi32>,
      %get3A_389 = vector.shape_cast %get3A_388 : vector<1x16xi32> to vector<16xi32>
      %ne3A_390 = arith.constant 0 : i32
      %ne3A_391 = vector.broadcast %ne3A_390 : i32 to vector<16xi32>
      %ne3A_392 = arith.cmpi ne, %get3A_389, %ne3A_391 : vector<16xi32>
      %jit3A_393 = arith.constant 1.000000e+00 : f32
      %jit3A_394 = arith.constant 0.000000e+00 : f32
      %broadcast_in_dim3A_395 = vector.broadcast %jit3A_393 : f32 to vector<16xf32>
      %broadcast_in_dim3A_396 = vector.broadcast %jit3A_394 : f32 to vector<16xf32>
      %select_n3A_397 = arith.select %ne3A_392, %broadcast_in_dim3A_395, %broadcast_in_dim3A_396 : vector<16xi1>, vector<16xf32>
      %swap3A_398 = arith.index_cast %add3A_368 : i32 to index
      %swap3A_399 = arith.constant 0 : index
      %swap3A_400 = tpu.vector_load %arg7[%swap3A_398, %swap3A_399] {strides = array<i32>} : memref<50x128xf32, #tpu.memory_space<vmem>>, vector<1x16xf32>,
      %swap3A_401 = vector.shape_cast %swap3A_400 : vector<1x16xf32> to vector<16xf32>
      %swap3A_402 = vector.shape_cast %select_n3A_397 : vector<16xf32> to vector<1x16xf32>
      tpu.vector_store %arg7[%swap3A_398, %swap3A_399], %swap3A_402 {strides = array<i32>} : memref<50x128xf32, #tpu.memory_space<vmem>>, vector<1x16xf32>,
      %get3A_403 = arith.index_cast %add3A_368 : i32 to index
      %get3A_404 = arith.constant 16 : index
      %get3A_405 = tpu.vector_load %arg6[%get3A_403, %get3A_404] {strides = array<i32>} : memref<50x128xi32, #tpu.memory_space<vmem>>, vector<1x16xi32>,
      %get3A_406 = vector.shape_cast %get3A_405 : vector<1x16xi32> to vector<16xi32>
      %ne3A_407 = arith.constant 0 : i32
      %ne3A_408 = vector.broadcast %ne3A_407 : i32 to vector<16xi32>
      %ne3A_409 = arith.cmpi ne, %get3A_406, %ne3A_408 : vector<16xi32>
      %jit3A_410 = arith.constant 1.000000e+00 : f32
      %jit3A_411 = arith.constant 0.000000e+00 : f32
      %broadcast_in_dim3A_412 = vector.broadcast %jit3A_410 : f32 to vector<16xf32>
      %broadcast_in_dim3A_413 = vector.broadcast %jit3A_411 : f32 to vector<16xf32>
      %select_n3A_414 = arith.select %ne3A_409, %broadcast_in_dim3A_412, %broadcast_in_dim3A_413 : vector<16xi1>, vector<16xf32>
      %swap3A_415 = arith.index_cast %add3A_368 : i32 to index
      %swap3A_416 = arith.constant 16 : index
      %swap3A_417 = tpu.vector_load %arg7[%swap3A_415, %swap3A_416] {strides = array<i32>} : memref<50x128xf32, #tpu.memory_space<vmem>>, vector<1x16xf32>,
      %swap3A_418 = vector.shape_cast %swap3A_417 : vector<1x16xf32> to vector<16xf32>
      %swap3A_419 = vector.shape_cast %select_n3A_414 : vector<16xf32> to vector<1x16xf32>
      tpu.vector_store %arg7[%swap3A_415, %swap3A_416], %swap3A_419 {strides = array<i32>} : memref<50x128xf32, #tpu.memory_space<vmem>>, vector<1x16xf32>,
      %get3A_420 = arith.index_cast %add3A_368 : i32 to index
      %get3A_421 = arith.constant 32 : index
      %get3A_422 = tpu.vector_load %arg6[%get3A_420, %get3A_421] {strides = array<i32>} : memref<50x128xi32, #tpu.memory_space<vmem>>, vector<1x16xi32>,
      %get3A_423 = vector.shape_cast %get3A_422 : vector<1x16xi32> to vector<16xi32>
      %ne3A_424 = arith.constant 0 : i32
      %ne3A_425 = vector.broadcast %ne3A_424 : i32 to vector<16xi32>
      %ne3A_426 = arith.cmpi ne, %get3A_423, %ne3A_425 : vector<16xi32>
      %jit3A_427 = arith.constant 1.000000e+00 : f32
      %jit3A_428 = arith.constant 0.000000e+00 : f32
      %broadcast_in_dim3A_429 = vector.broadcast %jit3A_427 : f32 to vector<16xf32>
      %broadcast_in_dim3A_430 = vector.broadcast %jit3A_428 : f32 to vector<16xf32>
      %select_n3A_431 = arith.select %ne3A_426, %broadcast_in_dim3A_429, %broadcast_in_dim3A_430 : vector<16xi1>, vector<16xf32>
      %swap3A_432 = arith.index_cast %add3A_368 : i32 to index
      %swap3A_433 = arith.constant 32 : index
      %swap3A_434 = tpu.vector_load %arg7[%swap3A_432, %swap3A_433] {strides = array<i32>} : memref<50x128xf32, #tpu.memory_space<vmem>>, vector<1x16xf32>,
      %swap3A_435 = vector.shape_cast %swap3A_434 : vector<1x16xf32> to vector<16xf32>
      %swap3A_436 = vector.shape_cast %select_n3A_431 : vector<16xf32> to vector<1x16xf32>
      tpu.vector_store %arg7[%swap3A_432, %swap3A_433], %swap3A_436 {strides = array<i32>} : memref<50x128xf32, #tpu.memory_space<vmem>>, vector<1x16xf32>,
      %get3A_437 = arith.index_cast %add3A_368 : i32 to index
      %get3A_438 = arith.constant 48 : index
      %get3A_439 = tpu.vector_load %arg6[%get3A_437, %get3A_438] {strides = array<i32>} : memref<50x128xi32, #tpu.memory_space<vmem>>, vector<1x16xi32>,
      %get3A_440 = vector.shape_cast %get3A_439 : vector<1x16xi32> to vector<16xi32>
      %ne3A_441 = arith.constant 0 : i32
      %ne3A_442 = vector.broadcast %ne3A_441 : i32 to vector<16xi32>
      %ne3A_443 = arith.cmpi ne, %get3A_440, %ne3A_442 : vector<16xi32>
      %jit3A_444 = arith.constant 1.000000e+00 : f32
      %jit3A_445 = arith.constant 0.000000e+00 : f32
      %broadcast_in_dim3A_446 = vector.broadcast %jit3A_444 : f32 to vector<16xf32>
      %broadcast_in_dim3A_447 = vector.broadcast %jit3A_445 : f32 to vector<16xf32>
      %select_n3A_448 = arith.select %ne3A_443, %broadcast_in_dim3A_446, %broadcast_in_dim3A_447 : vector<16xi1>, vector<16xf32>
      %swap3A_449 = arith.index_cast %add3A_368 : i32 to index
      %swap3A_450 = arith.constant 48 : index
      %swap3A_451 = tpu.vector_load %arg7[%swap3A_449, %swap3A_450] {strides = array<i32>} : memref<50x128xf32, #tpu.memory_space<vmem>>, vector<1x16xf32>,
      %swap3A_452 = vector.shape_cast %swap3A_451 : vector<1x16xf32> to vector<16xf32>
      %swap3A_453 = vector.shape_cast %select_n3A_448 : vector<16xf32> to vector<1x16xf32>
      tpu.vector_store %arg7[%swap3A_449, %swap3A_450], %swap3A_453 {strides = array<i32>} : memref<50x128xf32, #tpu.memory_space<vmem>>, vector<1x16xf32>,
      %get3A_454 = arith.index_cast %add3A_368 : i32 to index
      %get3A_455 = arith.constant 64 : index
      %get3A_456 = tpu.vector_load %arg6[%get3A_454, %get3A_455] {strides = array<i32>} : memref<50x128xi32, #tpu.memory_space<vmem>>, vector<1x16xi32>,
      %get3A_457 = vector.shape_cast %get3A_456 : vector<1x16xi32> to vector<16xi32>
      %ne3A_458 = arith.constant 0 : i32
      %ne3A_459 = vector.broadcast %ne3A_458 : i32 to vector<16xi32>
      %ne3A_460 = arith.cmpi ne, %get3A_457, %ne3A_459 : vector<16xi32>
      %jit3A_461 = arith.constant 1.000000e+00 : f32
      %jit3A_462 = arith.constant 0.000000e+00 : f32
      %broadcast_in_dim3A_463 = vector.broadcast %jit3A_461 : f32 to vector<16xf32>
      %broadcast_in_dim3A_464 = vector.broadcast %jit3A_462 : f32 to vector<16xf32>
      %select_n3A_465 = arith.select %ne3A_460, %broadcast_in_dim3A_463, %broadcast_in_dim3A_464 : vector<16xi1>, vector<16xf32>
      %swap3A_466 = arith.index_cast %add3A_368 : i32 to index
      %swap3A_467 = arith.constant 64 : index
      %swap3A_468 = tpu.vector_load %arg7[%swap3A_466, %swap3A_467] {strides = array<i32>} : memref<50x128xf32, #tpu.memory_space<vmem>>, vector<1x16xf32>,
      %swap3A_469 = vector.shape_cast %swap3A_468 : vector<1x16xf32> to vector<16xf32>
      %swap3A_470 = vector.shape_cast %select_n3A_465 : vector<16xf32> to vector<1x16xf32>
      tpu.vector_store %arg7[%swap3A_466, %swap3A_467], %swap3A_470 {strides = array<i32>} : memref<50x128xf32, #tpu.memory_space<vmem>>, vector<1x16xf32>,
      %get3A_471 = arith.index_cast %add3A_368 : i32 to index
      %get3A_472 = arith.constant 80 : index
      %get3A_473 = tpu.vector_load %arg6[%get3A_471, %get3A_472] {strides = array<i32>} : memref<50x128xi32, #tpu.memory_space<vmem>>, vector<1x16xi32>,
      %get3A_474 = vector.shape_cast %get3A_473 : vector<1x16xi32> to vector<16xi32>
      %ne3A_475 = arith.constant 0 : i32
      %ne3A_476 = vector.broadcast %ne3A_475 : i32 to vector<16xi32>
      %ne3A_477 = arith.cmpi ne, %get3A_474, %ne3A_476 : vector<16xi32>
      %jit3A_478 = arith.constant 1.000000e+00 : f32
      %jit3A_479 = arith.constant 0.000000e+00 : f32
      %broadcast_in_dim3A_480 = vector.broadcast %jit3A_478 : f32 to vector<16xf32>
      %broadcast_in_dim3A_481 = vector.broadcast %jit3A_479 : f32 to vector<16xf32>
      %select_n3A_482 = arith.select %ne3A_477, %broadcast_in_dim3A_480, %broadcast_in_dim3A_481 : vector<16xi1>, vector<16xf32>
      %swap3A_483 = arith.index_cast %add3A_368 : i32 to index
      %swap3A_484 = arith.constant 80 : index
      %swap3A_485 = tpu.vector_load %arg7[%swap3A_483, %swap3A_484] {strides = array<i32>} : memref<50x128xf32, #tpu.memory_space<vmem>>, vector<1x16xf32>,
      %swap3A_486 = vector.shape_cast %swap3A_485 : vector<1x16xf32> to vector<16xf32>
      %swap3A_487 = vector.shape_cast %select_n3A_482 : vector<16xf32> to vector<1x16xf32>
      tpu.vector_store %arg7[%swap3A_483, %swap3A_484], %swap3A_487 {strides = array<i32>} : memref<50x128xf32, #tpu.memory_space<vmem>>, vector<1x16xf32>,
      %get3A_488 = arith.index_cast %add3A_368 : i32 to index
      %get3A_489 = arith.constant 96 : index
      %get3A_490 = tpu.vector_load %arg6[%get3A_488, %get3A_489] {strides = array<i32>} : memref<50x128xi32, #tpu.memory_space<vmem>>, vector<1x16xi32>,
      %get3A_491 = vector.shape_cast %get3A_490 : vector<1x16xi32> to vector<16xi32>
      %ne3A_492 = arith.constant 0 : i32
      %ne3A_493 = vector.broadcast %ne3A_492 : i32 to vector<16xi32>
      %ne3A_494 = arith.cmpi ne, %get3A_491, %ne3A_493 : vector<16xi32>
      %jit3A_495 = arith.constant 1.000000e+00 : f32
      %jit3A_496 = arith.constant 0.000000e+00 : f32
      %broadcast_in_dim3A_497 = vector.broadcast %jit3A_495 : f32 to vector<16xf32>
      %broadcast_in_dim3A_498 = vector.broadcast %jit3A_496 : f32 to vector<16xf32>
      %select_n3A_499 = arith.select %ne3A_494, %broadcast_in_dim3A_497, %broadcast_in_dim3A_498 : vector<16xi1>, vector<16xf32>
      %swap3A_500 = arith.index_cast %add3A_368 : i32 to index
      %swap3A_501 = arith.constant 96 : index
      %swap3A_502 = tpu.vector_load %arg7[%swap3A_500, %swap3A_501] {strides = array<i32>} : memref<50x128xf32, #tpu.memory_space<vmem>>, vector<1x16xf32>,
      %swap3A_503 = vector.shape_cast %swap3A_502 : vector<1x16xf32> to vector<16xf32>
      %swap3A_504 = vector.shape_cast %select_n3A_499 : vector<16xf32> to vector<1x16xf32>
      tpu.vector_store %arg7[%swap3A_500, %swap3A_501], %swap3A_504 {strides = array<i32>} : memref<50x128xf32, #tpu.memory_space<vmem>>, vector<1x16xf32>,
      %get3A_505 = arith.index_cast %add3A_368 : i32 to index
      %get3A_506 = arith.constant 112 : index
      %get3A_507 = tpu.vector_load %arg6[%get3A_505, %get3A_506] {strides = array<i32>} : memref<50x128xi32, #tpu.memory_space<vmem>>, vector<1x16xi32>,
      %get3A_508 = vector.shape_cast %get3A_507 : vector<1x16xi32> to vector<16xi32>
      %ne3A_509 = arith.constant 0 : i32
      %ne3A_510 = vector.broadcast %ne3A_509 : i32 to vector<16xi32>
      %ne3A_511 = arith.cmpi ne, %get3A_508, %ne3A_510 : vector<16xi32>
      %jit3A_512 = arith.constant 1.000000e+00 : f32
      %jit3A_513 = arith.constant 0.000000e+00 : f32
      %broadcast_in_dim3A_514 = vector.broadcast %jit3A_512 : f32 to vector<16xf32>
      %broadcast_in_dim3A_515 = vector.broadcast %jit3A_513 : f32 to vector<16xf32>
      %select_n3A_516 = arith.select %ne3A_511, %broadcast_in_dim3A_514, %broadcast_in_dim3A_515 : vector<16xi1>, vector<16xf32>
      %swap3A_517 = arith.index_cast %add3A_368 : i32 to index
      %swap3A_518 = arith.constant 112 : index
      %swap3A_519 = tpu.vector_load %arg7[%swap3A_517, %swap3A_518] {strides = array<i32>} : memref<50x128xf32, #tpu.memory_space<vmem>>, vector<1x16xf32>,
      %swap3A_520 = vector.shape_cast %swap3A_519 : vector<1x16xf32> to vector<16xf32>
      %swap3A_521 = vector.shape_cast %select_n3A_516 : vector<16xf32> to vector<1x16xf32>
      tpu.vector_store %arg7[%swap3A_517, %swap3A_518], %swap3A_521 {strides = array<i32>} : memref<50x128xf32, #tpu.memory_space<vmem>>, vector<1x16xf32>,
      %dma_wait3A_522 = arith.constant 1 : i32
      %dma_wait3A_523 = arith.constant 1 : i32
      %dma_wait3A_524 = arith.constant 0 : i32
      %dma_wait3A_525 = arith.constant 0 : i32
      %dma_wait3A_526 = tpu.memref_slice %arg8[%dma_wait3A_522, %dma_wait3A_524, %dma_wait3A_525] : memref<5x128x128xf32, #tpu.memory_space<vmem>> -> memref<1x128x128xf32, #tpu.memory_space<vmem>>
      %dma_wait3A_527 = tpu.memref_squeeze %dma_wait3A_526 : memref<1x128x128xf32, #tpu.memory_space<vmem>> -> memref<128x128xf32, #tpu.memory_space<vmem>>
      %dma_wait3A_528 = arith.constant 0 : i32
      %dma_wait3A_529 = tpu.memref_slice %arg6[%add3A_368, %dma_wait3A_528] : memref<50x128xi32, #tpu.memory_space<vmem>> -> memref<1x128xi32, #tpu.memory_space<vmem>>
      %dma_wait3A_530 = tpu.memref_squeeze %dma_wait3A_529 : memref<1x128xi32, #tpu.memory_space<vmem>> -> memref<128xi32, #tpu.memory_space<vmem>>
      %dma_wait3A_531 = arith.constant 0 : i32
      %dma_wait3A_532 = arith.constant 0 : i32
      %dma_wait3A_533 = tpu.memref_slice %arg2[%dma_wait3A_531, %dma_wait3A_532] : memref<100000x128xf32, #tpu.memory_space<hbm>> -> memref<100000x128xf32, #tpu.memory_space<hbm>>
      %dma_wait3A_534 = tpu.memref_slice %arg9[%dma_wait3A_523] : memref<5x!tpu.dma_semaphore, #tpu.memory_space<semaphore_mem>> -> memref<1x!tpu.dma_semaphore, #tpu.memory_space<semaphore_mem>>
      %dma_wait3A_535 = tpu.memref_squeeze %dma_wait3A_534 : memref<1x!tpu.dma_semaphore, #tpu.memory_space<semaphore_mem>> -> memref<!tpu.dma_semaphore, #tpu.memory_space<semaphore_mem>>
      tpu.wait_indirect_dma semaphore(%dma_wait3A_535 : memref<!tpu.dma_semaphore, #tpu.memory_space<semaphore_mem>>) src(%dma_wait3A_533 : memref<100000x128xf32, #tpu.memory_space<hbm>>) dst(%dma_wait3A_527 : memref<128x128xf32, #tpu.memory_space<vmem>>)
      %mul3A_536 = arith.constant 128 : i32
      %mul3A_537 = arith.muli %add3A_368, %mul3A_536 : i32
      %add3A_538 = arith.addi %mul3A_15, %mul3A_537 : i32
      %dma_start3A_539 = arith.constant 1 : i32
      %dma_start3A_540 = arith.constant 1 : i32
      %dma_start3A_541 = arith.constant 0 : i32
      %dma_start3A_542 = arith.constant 0 : i32
      %dma_start3A_543 = tpu.memref_slice %arg8[%dma_start3A_539, %dma_start3A_541, %dma_start3A_542] : memref<5x128x128xf32, #tpu.memory_space<vmem>> -> memref<1x128x128xf32, #tpu.memory_space<vmem>>
      %dma_start3A_544 = tpu.memref_squeeze %dma_start3A_543 : memref<1x128x128xf32, #tpu.memory_space<vmem>> -> memref<128x128xf32, #tpu.memory_space<vmem>>
      %dma_start3A_545 = arith.constant 0 : i32
      %dma_start3A_546 = tpu.memref_slice %arg4[%add3A_538, %dma_start3A_545] : memref<204800x128xf32, #tpu.memory_space<hbm>> -> memref<128x128xf32, #tpu.memory_space<hbm>>
      %dma_start3A_547 = tpu.memref_slice %arg10[%dma_start3A_540] : memref<5x!tpu.dma_semaphore, #tpu.memory_space<semaphore_mem>> -> memref<1x!tpu.dma_semaphore, #tpu.memory_space<semaphore_mem>>
      %dma_start3A_548 = tpu.memref_squeeze %dma_start3A_547 : memref<1x!tpu.dma_semaphore, #tpu.memory_space<semaphore_mem>> -> memref<!tpu.dma_semaphore, #tpu.memory_space<semaphore_mem>>
      %dma_start3A_549 = arith.constant 0 : i32
      %dma_start3A_550 = tpu.memref_slice %arg4[%add3A_538, %dma_start3A_549] : memref<204800x128xf32, #tpu.memory_space<hbm>> -> memref<128x128xf32, #tpu.memory_space<hbm>>
      %dma_start3A_551 = arith.constant 0 : i32
      %dma_start3A_552 = arith.constant 0 : i32
      %dma_start3A_553 = tpu.memref_slice %arg8[%dma_start3A_539, %dma_start3A_551, %dma_start3A_552] : memref<5x128x128xf32, #tpu.memory_space<vmem>> -> memref<1x128x128xf32, #tpu.memory_space<vmem>>
      %dma_start3A_554 = tpu.memref_squeeze %dma_start3A_553 : memref<1x128x128xf32, #tpu.memory_space<vmem>> -> memref<128x128xf32, #tpu.memory_space<vmem>>
      tpu.enqueue_dma source(%dma_start3A_554 : memref<128x128xf32, #tpu.memory_space<vmem>>) target(%dma_start3A_550 : memref<128x128xf32, #tpu.memory_space<hbm>>) target_semaphore(%dma_start3A_548 : memref<!tpu.dma_semaphore, #tpu.memory_space<semaphore_mem>>)
      %mul3A_555 = arith.constant 5 : i32
      %mul3A_556 = arith.muli %scan3A_185, %mul3A_555 : i32
      %add3A_557 = arith.constant 2 : i32
      %add3A_558 = arith.addi %mul3A_556, %add3A_557 : i32
      %ge3A_559 = arith.constant 2 : i32
      %ge3A_560 = arith.cmpi sge, %add3A_558, %ge3A_559 : i32
      %add3A_561 = arith.constant 3 : i32
      %add3A_562 = arith.addi %add3A_558, %add3A_561 : i32
      %lt3A_563 = arith.constant 50 : i32
      %lt3A_564 = arith.cmpi slt, %add3A_562, %lt3A_563 : i32
      %and3A_565 = arith.andi %ge3A_560, %lt3A_564 : i1
      %convert_element_type3A_566 = arith.extui %and3A_565 : i1 to i32
      %cond3A_567 = arith.constant 0 : i32
      %cond3A_568 = arith.cmpi ne, %convert_element_type3A_566, %cond3A_567 : i32
      scf.if %cond3A_568 {
        %add3A_1125 = arith.constant 3 : i32
        %add3A_1126 = arith.addi %add3A_558, %add3A_1125 : i32
        %sub3A = arith.constant 5 : i32
        %sub3A_1127 = arith.subi %add3A_1126, %sub3A : i32
        %mul3A_1128 = arith.constant 128 : i32
        %mul3A_1129 = arith.muli %sub3A_1127, %mul3A_1128 : i32
        %add3A_1130 = arith.addi %mul3A_15, %mul3A_1129 : i32
        %dma_wait3A_1131 = arith.constant 0 : i32
        %dma_wait3A_1132 = arith.constant 0 : i32
        %dma_wait3A_1133 = arith.constant 0 : i32
        %dma_wait3A_1134 = arith.constant 0 : i32
        %dma_wait3A_1135 = tpu.memref_slice %arg8[%dma_wait3A_1131, %dma_wait3A_1133, %dma_wait3A_1134] : memref<5x128x128xf32, #tpu.memory_space<vmem>> -> memref<1x128x128xf32, #tpu.memory_space<vmem>>
        %dma_wait3A_1136 = tpu.memref_squeeze %dma_wait3A_1135 : memref<1x128x128xf32, #tpu.memory_space<vmem>> -> memref<128x128xf32, #tpu.memory_space<vmem>>
        %dma_wait3A_1137 = arith.constant 0 : i32
        %dma_wait3A_1138 = tpu.memref_slice %arg4[%add3A_1130, %dma_wait3A_1137] : memref<204800x128xf32, #tpu.memory_space<hbm>> -> memref<128x128xf32, #tpu.memory_space<hbm>>
        %dma_wait3A_1139 = tpu.memref_slice %arg10[%dma_wait3A_1132] : memref<5x!tpu.dma_semaphore, #tpu.memory_space<semaphore_mem>> -> memref<1x!tpu.dma_semaphore, #tpu.memory_space<semaphore_mem>>
        %dma_wait3A_1140 = tpu.memref_squeeze %dma_wait3A_1139 : memref<1x!tpu.dma_semaphore, #tpu.memory_space<semaphore_mem>> -> memref<!tpu.dma_semaphore, #tpu.memory_space<semaphore_mem>>
        %dma_wait3A_1141 = arith.constant 0 : i32
        %dma_wait3A_1142 = tpu.memref_slice %arg4[%add3A_1130, %dma_wait3A_1141] : memref<204800x128xf32, #tpu.memory_space<hbm>> -> memref<128x128xf32, #tpu.memory_space<hbm>>
        %dma_wait3A_1143 = arith.constant 0 : i32
        %dma_wait3A_1144 = arith.constant 0 : i32
        %dma_wait3A_1145 = tpu.memref_slice %arg8[%dma_wait3A_1131, %dma_wait3A_1143, %dma_wait3A_1144] : memref<5x128x128xf32, #tpu.memory_space<vmem>> -> memref<1x128x128xf32, #tpu.memory_space<vmem>>
        %dma_wait3A_1146 = tpu.memref_squeeze %dma_wait3A_1145 : memref<1x128x128xf32, #tpu.memory_space<vmem>> -> memref<128x128xf32, #tpu.memory_space<vmem>>
        tpu.wait_dma2 semaphore(%dma_wait3A_1140 : memref<!tpu.dma_semaphore, #tpu.memory_space<semaphore_mem>>) src(%dma_wait3A_1146 : memref<128x128xf32, #tpu.memory_space<vmem>>) dst(%dma_wait3A_1142 : memref<128x128xf32, #tpu.memory_space<hbm>>)
      } else {
      }
      %add3A_569 = arith.constant 3 : i32
      %add3A_570 = arith.addi %add3A_558, %add3A_569 : i32
      %lt3A_571 = arith.constant 50 : i32
      %lt3A_572 = arith.cmpi slt, %add3A_570, %lt3A_571 : i32
      %convert_element_type3A_573 = arith.extui %lt3A_572 : i1 to i32
      %cond3A_574 = arith.constant 0 : i32
      %cond3A_575 = arith.cmpi ne, %convert_element_type3A_573, %cond3A_574 : i32
      scf.if %cond3A_575 {
        %add3A_1125 = arith.constant 3 : i32
        %add3A_1126 = arith.addi %add3A_558, %add3A_1125 : i32
        %dma_start3A_1127 = arith.constant 0 : i32
        %dma_start3A_1128 = arith.constant 0 : i32
        %dma_start3A_1129 = arith.constant 0 : i32
        %dma_start3A_1130 = arith.constant 0 : i32
        %dma_start3A_1131 = tpu.memref_slice %arg8[%dma_start3A_1127, %dma_start3A_1129, %dma_start3A_1130] : memref<5x128x128xf32, #tpu.memory_space<vmem>> -> memref<1x128x128xf32, #tpu.memory_space<vmem>>
        %dma_start3A_1132 = tpu.memref_squeeze %dma_start3A_1131 : memref<1x128x128xf32, #tpu.memory_space<vmem>> -> memref<128x128xf32, #tpu.memory_space<vmem>>
        %dma_start3A_1133 = arith.constant 0 : i32
        %dma_start3A_1134 = tpu.memref_slice %arg6[%add3A_1126, %dma_start3A_1133] : memref<50x128xi32, #tpu.memory_space<vmem>> -> memref<1x128xi32, #tpu.memory_space<vmem>>
        %dma_start3A_1135 = tpu.memref_squeeze %dma_start3A_1134 : memref<1x128xi32, #tpu.memory_space<vmem>> -> memref<128xi32, #tpu.memory_space<vmem>>
        %dma_start3A_1136 = arith.constant 0 : i32
        %dma_start3A_1137 = arith.constant 0 : i32
        %dma_start3A_1138 = tpu.memref_slice %arg2[%dma_start3A_1136, %dma_start3A_1137] : memref<100000x128xf32, #tpu.memory_space<hbm>> -> memref<100000x128xf32, #tpu.memory_space<hbm>>
        %dma_start3A_1139 = tpu.memref_slice %arg9[%dma_start3A_1128] : memref<5x!tpu.dma_semaphore, #tpu.memory_space<semaphore_mem>> -> memref<1x!tpu.dma_semaphore, #tpu.memory_space<semaphore_mem>>
        %dma_start3A_1140 = tpu.memref_squeeze %dma_start3A_1139 : memref<1x!tpu.dma_semaphore, #tpu.memory_space<semaphore_mem>> -> memref<!tpu.dma_semaphore, #tpu.memory_space<semaphore_mem>>
        tpu.enqueue_indirect_dma source(%dma_start3A_1138 : memref<100000x128xf32, #tpu.memory_space<hbm>>) target(%dma_start3A_1132 : memref<128x128xf32, #tpu.memory_space<vmem>>) offsets(%dma_start3A_1135 : memref<128xi32, #tpu.memory_space<vmem>>) semaphore(%dma_start3A_1140 : memref<!tpu.dma_semaphore, #tpu.memory_space<semaphore_mem>>)
      } else {
      }
      %get3A_576 = arith.index_cast %add3A_558 : i32 to index
      %get3A_577 = arith.constant 0 : index
      %get3A_578 = tpu.vector_load %arg6[%get3A_576, %get3A_577] {strides = array<i32>} : memref<50x128xi32, #tpu.memory_space<vmem>>, vector<1x16xi32>,
      %get3A_579 = vector.shape_cast %get3A_578 : vector<1x16xi32> to vector<16xi32>
      %ne3A_580 = arith.constant 0 : i32
      %ne3A_581 = vector.broadcast %ne3A_580 : i32 to vector<16xi32>
      %ne3A_582 = arith.cmpi ne, %get3A_579, %ne3A_581 : vector<16xi32>
      %jit3A_583 = arith.constant 1.000000e+00 : f32
      %jit3A_584 = arith.constant 0.000000e+00 : f32
      %broadcast_in_dim3A_585 = vector.broadcast %jit3A_583 : f32 to vector<16xf32>
      %broadcast_in_dim3A_586 = vector.broadcast %jit3A_584 : f32 to vector<16xf32>
      %select_n3A_587 = arith.select %ne3A_582, %broadcast_in_dim3A_585, %broadcast_in_dim3A_586 : vector<16xi1>, vector<16xf32>
      %swap3A_588 = arith.index_cast %add3A_558 : i32 to index
      %swap3A_589 = arith.constant 0 : index
      %swap3A_590 = tpu.vector_load %arg7[%swap3A_588, %swap3A_589] {strides = array<i32>} : memref<50x128xf32, #tpu.memory_space<vmem>>, vector<1x16xf32>,
      %swap3A_591 = vector.shape_cast %swap3A_590 : vector<1x16xf32> to vector<16xf32>
      %swap3A_592 = vector.shape_cast %select_n3A_587 : vector<16xf32> to vector<1x16xf32>
      tpu.vector_store %arg7[%swap3A_588, %swap3A_589], %swap3A_592 {strides = array<i32>} : memref<50x128xf32, #tpu.memory_space<vmem>>, vector<1x16xf32>,
      %get3A_593 = arith.index_cast %add3A_558 : i32 to index
      %get3A_594 = arith.constant 16 : index
      %get3A_595 = tpu.vector_load %arg6[%get3A_593, %get3A_594] {strides = array<i32>} : memref<50x128xi32, #tpu.memory_space<vmem>>, vector<1x16xi32>,
      %get3A_596 = vector.shape_cast %get3A_595 : vector<1x16xi32> to vector<16xi32>
      %ne3A_597 = arith.constant 0 : i32
      %ne3A_598 = vector.broadcast %ne3A_597 : i32 to vector<16xi32>
      %ne3A_599 = arith.cmpi ne, %get3A_596, %ne3A_598 : vector<16xi32>
      %jit3A_600 = arith.constant 1.000000e+00 : f32
      %jit3A_601 = arith.constant 0.000000e+00 : f32
      %broadcast_in_dim3A_602 = vector.broadcast %jit3A_600 : f32 to vector<16xf32>
      %broadcast_in_dim3A_603 = vector.broadcast %jit3A_601 : f32 to vector<16xf32>
      %select_n3A_604 = arith.select %ne3A_599, %broadcast_in_dim3A_602, %broadcast_in_dim3A_603 : vector<16xi1>, vector<16xf32>
      %swap3A_605 = arith.index_cast %add3A_558 : i32 to index
      %swap3A_606 = arith.constant 16 : index
      %swap3A_607 = tpu.vector_load %arg7[%swap3A_605, %swap3A_606] {strides = array<i32>} : memref<50x128xf32, #tpu.memory_space<vmem>>, vector<1x16xf32>,
      %swap3A_608 = vector.shape_cast %swap3A_607 : vector<1x16xf32> to vector<16xf32>
      %swap3A_609 = vector.shape_cast %select_n3A_604 : vector<16xf32> to vector<1x16xf32>
      tpu.vector_store %arg7[%swap3A_605, %swap3A_606], %swap3A_609 {strides = array<i32>} : memref<50x128xf32, #tpu.memory_space<vmem>>, vector<1x16xf32>,
      %get3A_610 = arith.index_cast %add3A_558 : i32 to index
      %get3A_611 = arith.constant 32 : index
      %get3A_612 = tpu.vector_load %arg6[%get3A_610, %get3A_611] {strides = array<i32>} : memref<50x128xi32, #tpu.memory_space<vmem>>, vector<1x16xi32>,
      %get3A_613 = vector.shape_cast %get3A_612 : vector<1x16xi32> to vector<16xi32>
      %ne3A_614 = arith.constant 0 : i32
      %ne3A_615 = vector.broadcast %ne3A_614 : i32 to vector<16xi32>
      %ne3A_616 = arith.cmpi ne, %get3A_613, %ne3A_615 : vector<16xi32>
      %jit3A_617 = arith.constant 1.000000e+00 : f32
      %jit3A_618 = arith.constant 0.000000e+00 : f32
      %broadcast_in_dim3A_619 = vector.broadcast %jit3A_617 : f32 to vector<16xf32>
      %broadcast_in_dim3A_620 = vector.broadcast %jit3A_618 : f32 to vector<16xf32>
      %select_n3A_621 = arith.select %ne3A_616, %broadcast_in_dim3A_619, %broadcast_in_dim3A_620 : vector<16xi1>, vector<16xf32>
      %swap3A_622 = arith.index_cast %add3A_558 : i32 to index
      %swap3A_623 = arith.constant 32 : index
      %swap3A_624 = tpu.vector_load %arg7[%swap3A_622, %swap3A_623] {strides = array<i32>} : memref<50x128xf32, #tpu.memory_space<vmem>>, vector<1x16xf32>,
      %swap3A_625 = vector.shape_cast %swap3A_624 : vector<1x16xf32> to vector<16xf32>
      %swap3A_626 = vector.shape_cast %select_n3A_621 : vector<16xf32> to vector<1x16xf32>
      tpu.vector_store %arg7[%swap3A_622, %swap3A_623], %swap3A_626 {strides = array<i32>} : memref<50x128xf32, #tpu.memory_space<vmem>>, vector<1x16xf32>,
      %get3A_627 = arith.index_cast %add3A_558 : i32 to index
      %get3A_628 = arith.constant 48 : index
      %get3A_629 = tpu.vector_load %arg6[%get3A_627, %get3A_628] {strides = array<i32>} : memref<50x128xi32, #tpu.memory_space<vmem>>, vector<1x16xi32>,
      %get3A_630 = vector.shape_cast %get3A_629 : vector<1x16xi32> to vector<16xi32>
      %ne3A_631 = arith.constant 0 : i32
      %ne3A_632 = vector.broadcast %ne3A_631 : i32 to vector<16xi32>
      %ne3A_633 = arith.cmpi ne, %get3A_630, %ne3A_632 : vector<16xi32>
      %jit3A_634 = arith.constant 1.000000e+00 : f32
      %jit3A_635 = arith.constant 0.000000e+00 : f32
      %broadcast_in_dim3A_636 = vector.broadcast %jit3A_634 : f32 to vector<16xf32>
      %broadcast_in_dim3A_637 = vector.broadcast %jit3A_635 : f32 to vector<16xf32>
      %select_n3A_638 = arith.select %ne3A_633, %broadcast_in_dim3A_636, %broadcast_in_dim3A_637 : vector<16xi1>, vector<16xf32>
      %swap3A_639 = arith.index_cast %add3A_558 : i32 to index
      %swap3A_640 = arith.constant 48 : index
      %swap3A_641 = tpu.vector_load %arg7[%swap3A_639, %swap3A_640] {strides = array<i32>} : memref<50x128xf32, #tpu.memory_space<vmem>>, vector<1x16xf32>,
      %swap3A_642 = vector.shape_cast %swap3A_641 : vector<1x16xf32> to vector<16xf32>
      %swap3A_643 = vector.shape_cast %select_n3A_638 : vector<16xf32> to vector<1x16xf32>
      tpu.vector_store %arg7[%swap3A_639, %swap3A_640], %swap3A_643 {strides = array<i32>} : memref<50x128xf32, #tpu.memory_space<vmem>>, vector<1x16xf32>,
      %get3A_644 = arith.index_cast %add3A_558 : i32 to index
      %get3A_645 = arith.constant 64 : index
      %get3A_646 = tpu.vector_load %arg6[%get3A_644, %get3A_645] {strides = array<i32>} : memref<50x128xi32, #tpu.memory_space<vmem>>, vector<1x16xi32>,
      %get3A_647 = vector.shape_cast %get3A_646 : vector<1x16xi32> to vector<16xi32>
      %ne3A_648 = arith.constant 0 : i32
      %ne3A_649 = vector.broadcast %ne3A_648 : i32 to vector<16xi32>
      %ne3A_650 = arith.cmpi ne, %get3A_647, %ne3A_649 : vector<16xi32>
      %jit3A_651 = arith.constant 1.000000e+00 : f32
      %jit3A_652 = arith.constant 0.000000e+00 : f32
      %broadcast_in_dim3A_653 = vector.broadcast %jit3A_651 : f32 to vector<16xf32>
      %broadcast_in_dim3A_654 = vector.broadcast %jit3A_652 : f32 to vector<16xf32>
      %select_n3A_655 = arith.select %ne3A_650, %broadcast_in_dim3A_653, %broadcast_in_dim3A_654 : vector<16xi1>, vector<16xf32>
      %swap3A_656 = arith.index_cast %add3A_558 : i32 to index
      %swap3A_657 = arith.constant 64 : index
      %swap3A_658 = tpu.vector_load %arg7[%swap3A_656, %swap3A_657] {strides = array<i32>} : memref<50x128xf32, #tpu.memory_space<vmem>>, vector<1x16xf32>,
      %swap3A_659 = vector.shape_cast %swap3A_658 : vector<1x16xf32> to vector<16xf32>
      %swap3A_660 = vector.shape_cast %select_n3A_655 : vector<16xf32> to vector<1x16xf32>
      tpu.vector_store %arg7[%swap3A_656, %swap3A_657], %swap3A_660 {strides = array<i32>} : memref<50x128xf32, #tpu.memory_space<vmem>>, vector<1x16xf32>,
      %get3A_661 = arith.index_cast %add3A_558 : i32 to index
      %get3A_662 = arith.constant 80 : index
      %get3A_663 = tpu.vector_load %arg6[%get3A_661, %get3A_662] {strides = array<i32>} : memref<50x128xi32, #tpu.memory_space<vmem>>, vector<1x16xi32>,
      %get3A_664 = vector.shape_cast %get3A_663 : vector<1x16xi32> to vector<16xi32>
      %ne3A_665 = arith.constant 0 : i32
      %ne3A_666 = vector.broadcast %ne3A_665 : i32 to vector<16xi32>
      %ne3A_667 = arith.cmpi ne, %get3A_664, %ne3A_666 : vector<16xi32>
      %jit3A_668 = arith.constant 1.000000e+00 : f32
      %jit3A_669 = arith.constant 0.000000e+00 : f32
      %broadcast_in_dim3A_670 = vector.broadcast %jit3A_668 : f32 to vector<16xf32>
      %broadcast_in_dim3A_671 = vector.broadcast %jit3A_669 : f32 to vector<16xf32>
      %select_n3A_672 = arith.select %ne3A_667, %broadcast_in_dim3A_670, %broadcast_in_dim3A_671 : vector<16xi1>, vector<16xf32>
      %swap3A_673 = arith.index_cast %add3A_558 : i32 to index
      %swap3A_674 = arith.constant 80 : index
      %swap3A_675 = tpu.vector_load %arg7[%swap3A_673, %swap3A_674] {strides = array<i32>} : memref<50x128xf32, #tpu.memory_space<vmem>>, vector<1x16xf32>,
      %swap3A_676 = vector.shape_cast %swap3A_675 : vector<1x16xf32> to vector<16xf32>
      %swap3A_677 = vector.shape_cast %select_n3A_672 : vector<16xf32> to vector<1x16xf32>
      tpu.vector_store %arg7[%swap3A_673, %swap3A_674], %swap3A_677 {strides = array<i32>} : memref<50x128xf32, #tpu.memory_space<vmem>>, vector<1x16xf32>,
      %get3A_678 = arith.index_cast %add3A_558 : i32 to index
      %get3A_679 = arith.constant 96 : index
      %get3A_680 = tpu.vector_load %arg6[%get3A_678, %get3A_679] {strides = array<i32>} : memref<50x128xi32, #tpu.memory_space<vmem>>, vector<1x16xi32>,
      %get3A_681 = vector.shape_cast %get3A_680 : vector<1x16xi32> to vector<16xi32>
      %ne3A_682 = arith.constant 0 : i32
      %ne3A_683 = vector.broadcast %ne3A_682 : i32 to vector<16xi32>
      %ne3A_684 = arith.cmpi ne, %get3A_681, %ne3A_683 : vector<16xi32>
      %jit3A_685 = arith.constant 1.000000e+00 : f32
      %jit3A_686 = arith.constant 0.000000e+00 : f32
      %broadcast_in_dim3A_687 = vector.broadcast %jit3A_685 : f32 to vector<16xf32>
      %broadcast_in_dim3A_688 = vector.broadcast %jit3A_686 : f32 to vector<16xf32>
      %select_n3A_689 = arith.select %ne3A_684, %broadcast_in_dim3A_687, %broadcast_in_dim3A_688 : vector<16xi1>, vector<16xf32>
      %swap3A_690 = arith.index_cast %add3A_558 : i32 to index
      %swap3A_691 = arith.constant 96 : index
      %swap3A_692 = tpu.vector_load %arg7[%swap3A_690, %swap3A_691] {strides = array<i32>} : memref<50x128xf32, #tpu.memory_space<vmem>>, vector<1x16xf32>,
      %swap3A_693 = vector.shape_cast %swap3A_692 : vector<1x16xf32> to vector<16xf32>
      %swap3A_694 = vector.shape_cast %select_n3A_689 : vector<16xf32> to vector<1x16xf32>
      tpu.vector_store %arg7[%swap3A_690, %swap3A_691], %swap3A_694 {strides = array<i32>} : memref<50x128xf32, #tpu.memory_space<vmem>>, vector<1x16xf32>,
      %get3A_695 = arith.index_cast %add3A_558 : i32 to index
      %get3A_696 = arith.constant 112 : index
      %get3A_697 = tpu.vector_load %arg6[%get3A_695, %get3A_696] {strides = array<i32>} : memref<50x128xi32, #tpu.memory_space<vmem>>, vector<1x16xi32>,
      %get3A_698 = vector.shape_cast %get3A_697 : vector<1x16xi32> to vector<16xi32>
      %ne3A_699 = arith.constant 0 : i32
      %ne3A_700 = vector.broadcast %ne3A_699 : i32 to vector<16xi32>
      %ne3A_701 = arith.cmpi ne, %get3A_698, %ne3A_700 : vector<16xi32>
      %jit3A_702 = arith.constant 1.000000e+00 : f32
      %jit3A_703 = arith.constant 0.000000e+00 : f32
      %broadcast_in_dim3A_704 = vector.broadcast %jit3A_702 : f32 to vector<16xf32>
      %broadcast_in_dim3A_705 = vector.broadcast %jit3A_703 : f32 to vector<16xf32>
      %select_n3A_706 = arith.select %ne3A_701, %broadcast_in_dim3A_704, %broadcast_in_dim3A_705 : vector<16xi1>, vector<16xf32>
      %swap3A_707 = arith.index_cast %add3A_558 : i32 to index
      %swap3A_708 = arith.constant 112 : index
      %swap3A_709 = tpu.vector_load %arg7[%swap3A_707, %swap3A_708] {strides = array<i32>} : memref<50x128xf32, #tpu.memory_space<vmem>>, vector<1x16xf32>,
      %swap3A_710 = vector.shape_cast %swap3A_709 : vector<1x16xf32> to vector<16xf32>
      %swap3A_711 = vector.shape_cast %select_n3A_706 : vector<16xf32> to vector<1x16xf32>
      tpu.vector_store %arg7[%swap3A_707, %swap3A_708], %swap3A_711 {strides = array<i32>} : memref<50x128xf32, #tpu.memory_space<vmem>>, vector<1x16xf32>,
      %dma_wait3A_712 = arith.constant 2 : i32
      %dma_wait3A_713 = arith.constant 2 : i32
      %dma_wait3A_714 = arith.constant 0 : i32
      %dma_wait3A_715 = arith.constant 0 : i32
      %dma_wait3A_716 = tpu.memref_slice %arg8[%dma_wait3A_712, %dma_wait3A_714, %dma_wait3A_715] : memref<5x128x128xf32, #tpu.memory_space<vmem>> -> memref<1x128x128xf32, #tpu.memory_space<vmem>>
      %dma_wait3A_717 = tpu.memref_squeeze %dma_wait3A_716 : memref<1x128x128xf32, #tpu.memory_space<vmem>> -> memref<128x128xf32, #tpu.memory_space<vmem>>
      %dma_wait3A_718 = arith.constant 0 : i32
      %dma_wait3A_719 = tpu.memref_slice %arg6[%add3A_558, %dma_wait3A_718] : memref<50x128xi32, #tpu.memory_space<vmem>> -> memref<1x128xi32, #tpu.memory_space<vmem>>
      %dma_wait3A_720 = tpu.memref_squeeze %dma_wait3A_719 : memref<1x128xi32, #tpu.memory_space<vmem>> -> memref<128xi32, #tpu.memory_space<vmem>>
      %dma_wait3A_721 = arith.constant 0 : i32
      %dma_wait3A_722 = arith.constant 0 : i32
      %dma_wait3A_723 = tpu.memref_slice %arg2[%dma_wait3A_721, %dma_wait3A_722] : memref<100000x128xf32, #tpu.memory_space<hbm>> -> memref<100000x128xf32, #tpu.memory_space<hbm>>
      %dma_wait3A_724 = tpu.memref_slice %arg9[%dma_wait3A_713] : memref<5x!tpu.dma_semaphore, #tpu.memory_space<semaphore_mem>> -> memref<1x!tpu.dma_semaphore, #tpu.memory_space<semaphore_mem>>
      %dma_wait3A_725 = tpu.memref_squeeze %dma_wait3A_724 : memref<1x!tpu.dma_semaphore, #tpu.memory_space<semaphore_mem>> -> memref<!tpu.dma_semaphore, #tpu.memory_space<semaphore_mem>>
      tpu.wait_indirect_dma semaphore(%dma_wait3A_725 : memref<!tpu.dma_semaphore, #tpu.memory_space<semaphore_mem>>) src(%dma_wait3A_723 : memref<100000x128xf32, #tpu.memory_space<hbm>>) dst(%dma_wait3A_717 : memref<128x128xf32, #tpu.memory_space<vmem>>)
      %mul3A_726 = arith.constant 128 : i32
      %mul3A_727 = arith.muli %add3A_558, %mul3A_726 : i32
      %add3A_728 = arith.addi %mul3A_15, %mul3A_727 : i32
      %dma_start3A_729 = arith.constant 2 : i32
      %dma_start3A_730 = arith.constant 2 : i32
      %dma_start3A_731 = arith.constant 0 : i32
      %dma_start3A_732 = arith.constant 0 : i32
      %dma_start3A_733 = tpu.memref_slice %arg8[%dma_start3A_729, %dma_start3A_731, %dma_start3A_732] : memref<5x128x128xf32, #tpu.memory_space<vmem>> -> memref<1x128x128xf32, #tpu.memory_space<vmem>>
      %dma_start3A_734 = tpu.memref_squeeze %dma_start3A_733 : memref<1x128x128xf32, #tpu.memory_space<vmem>> -> memref<128x128xf32, #tpu.memory_space<vmem>>
      %dma_start3A_735 = arith.constant 0 : i32
      %dma_start3A_736 = tpu.memref_slice %arg4[%add3A_728, %dma_start3A_735] : memref<204800x128xf32, #tpu.memory_space<hbm>> -> memref<128x128xf32, #tpu.memory_space<hbm>>
      %dma_start3A_737 = tpu.memref_slice %arg10[%dma_start3A_730] : memref<5x!tpu.dma_semaphore, #tpu.memory_space<semaphore_mem>> -> memref<1x!tpu.dma_semaphore, #tpu.memory_space<semaphore_mem>>
      %dma_start3A_738 = tpu.memref_squeeze %dma_start3A_737 : memref<1x!tpu.dma_semaphore, #tpu.memory_space<semaphore_mem>> -> memref<!tpu.dma_semaphore, #tpu.memory_space<semaphore_mem>>
      %dma_start3A_739 = arith.constant 0 : i32
      %dma_start3A_740 = tpu.memref_slice %arg4[%add3A_728, %dma_start3A_739] : memref<204800x128xf32, #tpu.memory_space<hbm>> -> memref<128x128xf32, #tpu.memory_space<hbm>>
      %dma_start3A_741 = arith.constant 0 : i32
      %dma_start3A_742 = arith.constant 0 : i32
      %dma_start3A_743 = tpu.memref_slice %arg8[%dma_start3A_729, %dma_start3A_741, %dma_start3A_742] : memref<5x128x128xf32, #tpu.memory_space<vmem>> -> memref<1x128x128xf32, #tpu.memory_space<vmem>>
      %dma_start3A_744 = tpu.memref_squeeze %dma_start3A_743 : memref<1x128x128xf32, #tpu.memory_space<vmem>> -> memref<128x128xf32, #tpu.memory_space<vmem>>
      tpu.enqueue_dma source(%dma_start3A_744 : memref<128x128xf32, #tpu.memory_space<vmem>>) target(%dma_start3A_740 : memref<128x128xf32, #tpu.memory_space<hbm>>) target_semaphore(%dma_start3A_738 : memref<!tpu.dma_semaphore, #tpu.memory_space<semaphore_mem>>)
      %mul3A_745 = arith.constant 5 : i32
      %mul3A_746 = arith.muli %scan3A_185, %mul3A_745 : i32
      %add3A_747 = arith.constant 3 : i32
      %add3A_748 = arith.addi %mul3A_746, %add3A_747 : i32
      %ge3A_749 = arith.constant 2 : i32
      %ge3A_750 = arith.cmpi sge, %add3A_748, %ge3A_749 : i32
      %add3A_751 = arith.constant 3 : i32
      %add3A_752 = arith.addi %add3A_748, %add3A_751 : i32
      %lt3A_753 = arith.constant 50 : i32
      %lt3A_754 = arith.cmpi slt, %add3A_752, %lt3A_753 : i32
      %and3A_755 = arith.andi %ge3A_750, %lt3A_754 : i1
      %convert_element_type3A_756 = arith.extui %and3A_755 : i1 to i32
      %cond3A_757 = arith.constant 0 : i32
      %cond3A_758 = arith.cmpi ne, %convert_element_type3A_756, %cond3A_757 : i32
      scf.if %cond3A_758 {
        %add3A_1125 = arith.constant 3 : i32
        %add3A_1126 = arith.addi %add3A_748, %add3A_1125 : i32
        %sub3A = arith.constant 5 : i32
        %sub3A_1127 = arith.subi %add3A_1126, %sub3A : i32
        %mul3A_1128 = arith.constant 128 : i32
        %mul3A_1129 = arith.muli %sub3A_1127, %mul3A_1128 : i32
        %add3A_1130 = arith.addi %mul3A_15, %mul3A_1129 : i32
        %dma_wait3A_1131 = arith.constant 1 : i32
        %dma_wait3A_1132 = arith.constant 1 : i32
        %dma_wait3A_1133 = arith.constant 0 : i32
        %dma_wait3A_1134 = arith.constant 0 : i32
        %dma_wait3A_1135 = tpu.memref_slice %arg8[%dma_wait3A_1131, %dma_wait3A_1133, %dma_wait3A_1134] : memref<5x128x128xf32, #tpu.memory_space<vmem>> -> memref<1x128x128xf32, #tpu.memory_space<vmem>>
        %dma_wait3A_1136 = tpu.memref_squeeze %dma_wait3A_1135 : memref<1x128x128xf32, #tpu.memory_space<vmem>> -> memref<128x128xf32, #tpu.memory_space<vmem>>
        %dma_wait3A_1137 = arith.constant 0 : i32
        %dma_wait3A_1138 = tpu.memref_slice %arg4[%add3A_1130, %dma_wait3A_1137] : memref<204800x128xf32, #tpu.memory_space<hbm>> -> memref<128x128xf32, #tpu.memory_space<hbm>>
        %dma_wait3A_1139 = tpu.memref_slice %arg10[%dma_wait3A_1132] : memref<5x!tpu.dma_semaphore, #tpu.memory_space<semaphore_mem>> -> memref<1x!tpu.dma_semaphore, #tpu.memory_space<semaphore_mem>>
        %dma_wait3A_1140 = tpu.memref_squeeze %dma_wait3A_1139 : memref<1x!tpu.dma_semaphore, #tpu.memory_space<semaphore_mem>> -> memref<!tpu.dma_semaphore, #tpu.memory_space<semaphore_mem>>
        %dma_wait3A_1141 = arith.constant 0 : i32
        %dma_wait3A_1142 = tpu.memref_slice %arg4[%add3A_1130, %dma_wait3A_1141] : memref<204800x128xf32, #tpu.memory_space<hbm>> -> memref<128x128xf32, #tpu.memory_space<hbm>>
        %dma_wait3A_1143 = arith.constant 0 : i32
        %dma_wait3A_1144 = arith.constant 0 : i32
        %dma_wait3A_1145 = tpu.memref_slice %arg8[%dma_wait3A_1131, %dma_wait3A_1143, %dma_wait3A_1144] : memref<5x128x128xf32, #tpu.memory_space<vmem>> -> memref<1x128x128xf32, #tpu.memory_space<vmem>>
        %dma_wait3A_1146 = tpu.memref_squeeze %dma_wait3A_1145 : memref<1x128x128xf32, #tpu.memory_space<vmem>> -> memref<128x128xf32, #tpu.memory_space<vmem>>
        tpu.wait_dma2 semaphore(%dma_wait3A_1140 : memref<!tpu.dma_semaphore, #tpu.memory_space<semaphore_mem>>) src(%dma_wait3A_1146 : memref<128x128xf32, #tpu.memory_space<vmem>>) dst(%dma_wait3A_1142 : memref<128x128xf32, #tpu.memory_space<hbm>>)
      } else {
      }
      %add3A_759 = arith.constant 3 : i32
      %add3A_760 = arith.addi %add3A_748, %add3A_759 : i32
      %lt3A_761 = arith.constant 50 : i32
      %lt3A_762 = arith.cmpi slt, %add3A_760, %lt3A_761 : i32
      %convert_element_type3A_763 = arith.extui %lt3A_762 : i1 to i32
      %cond3A_764 = arith.constant 0 : i32
      %cond3A_765 = arith.cmpi ne, %convert_element_type3A_763, %cond3A_764 : i32
      scf.if %cond3A_765 {
        %add3A_1125 = arith.constant 3 : i32
        %add3A_1126 = arith.addi %add3A_748, %add3A_1125 : i32
        %dma_start3A_1127 = arith.constant 1 : i32
        %dma_start3A_1128 = arith.constant 1 : i32
        %dma_start3A_1129 = arith.constant 0 : i32
        %dma_start3A_1130 = arith.constant 0 : i32
        %dma_start3A_1131 = tpu.memref_slice %arg8[%dma_start3A_1127, %dma_start3A_1129, %dma_start3A_1130] : memref<5x128x128xf32, #tpu.memory_space<vmem>> -> memref<1x128x128xf32, #tpu.memory_space<vmem>>
        %dma_start3A_1132 = tpu.memref_squeeze %dma_start3A_1131 : memref<1x128x128xf32, #tpu.memory_space<vmem>> -> memref<128x128xf32, #tpu.memory_space<vmem>>
        %dma_start3A_1133 = arith.constant 0 : i32
        %dma_start3A_1134 = tpu.memref_slice %arg6[%add3A_1126, %dma_start3A_1133] : memref<50x128xi32, #tpu.memory_space<vmem>> -> memref<1x128xi32, #tpu.memory_space<vmem>>
        %dma_start3A_1135 = tpu.memref_squeeze %dma_start3A_1134 : memref<1x128xi32, #tpu.memory_space<vmem>> -> memref<128xi32, #tpu.memory_space<vmem>>
        %dma_start3A_1136 = arith.constant 0 : i32
        %dma_start3A_1137 = arith.constant 0 : i32
        %dma_start3A_1138 = tpu.memref_slice %arg2[%dma_start3A_1136, %dma_start3A_1137] : memref<100000x128xf32, #tpu.memory_space<hbm>> -> memref<100000x128xf32, #tpu.memory_space<hbm>>
        %dma_start3A_1139 = tpu.memref_slice %arg9[%dma_start3A_1128] : memref<5x!tpu.dma_semaphore, #tpu.memory_space<semaphore_mem>> -> memref<1x!tpu.dma_semaphore, #tpu.memory_space<semaphore_mem>>
        %dma_start3A_1140 = tpu.memref_squeeze %dma_start3A_1139 : memref<1x!tpu.dma_semaphore, #tpu.memory_space<semaphore_mem>> -> memref<!tpu.dma_semaphore, #tpu.memory_space<semaphore_mem>>
        tpu.enqueue_indirect_dma source(%dma_start3A_1138 : memref<100000x128xf32, #tpu.memory_space<hbm>>) target(%dma_start3A_1132 : memref<128x128xf32, #tpu.memory_space<vmem>>) offsets(%dma_start3A_1135 : memref<128xi32, #tpu.memory_space<vmem>>) semaphore(%dma_start3A_1140 : memref<!tpu.dma_semaphore, #tpu.memory_space<semaphore_mem>>)
      } else {
      }
      %get3A_766 = arith.index_cast %add3A_748 : i32 to index
      %get3A_767 = arith.constant 0 : index
      %get3A_768 = tpu.vector_load %arg6[%get3A_766, %get3A_767] {strides = array<i32>} : memref<50x128xi32, #tpu.memory_space<vmem>>, vector<1x16xi32>,
      %get3A_769 = vector.shape_cast %get3A_768 : vector<1x16xi32> to vector<16xi32>
      %ne3A_770 = arith.constant 0 : i32
      %ne3A_771 = vector.broadcast %ne3A_770 : i32 to vector<16xi32>
      %ne3A_772 = arith.cmpi ne, %get3A_769, %ne3A_771 : vector<16xi32>
      %jit3A_773 = arith.constant 1.000000e+00 : f32
      %jit3A_774 = arith.constant 0.000000e+00 : f32
      %broadcast_in_dim3A_775 = vector.broadcast %jit3A_773 : f32 to vector<16xf32>
      %broadcast_in_dim3A_776 = vector.broadcast %jit3A_774 : f32 to vector<16xf32>
      %select_n3A_777 = arith.select %ne3A_772, %broadcast_in_dim3A_775, %broadcast_in_dim3A_776 : vector<16xi1>, vector<16xf32>
      %swap3A_778 = arith.index_cast %add3A_748 : i32 to index
      %swap3A_779 = arith.constant 0 : index
      %swap3A_780 = tpu.vector_load %arg7[%swap3A_778, %swap3A_779] {strides = array<i32>} : memref<50x128xf32, #tpu.memory_space<vmem>>, vector<1x16xf32>,
      %swap3A_781 = vector.shape_cast %swap3A_780 : vector<1x16xf32> to vector<16xf32>
      %swap3A_782 = vector.shape_cast %select_n3A_777 : vector<16xf32> to vector<1x16xf32>
      tpu.vector_store %arg7[%swap3A_778, %swap3A_779], %swap3A_782 {strides = array<i32>} : memref<50x128xf32, #tpu.memory_space<vmem>>, vector<1x16xf32>,
      %get3A_783 = arith.index_cast %add3A_748 : i32 to index
      %get3A_784 = arith.constant 16 : index
      %get3A_785 = tpu.vector_load %arg6[%get3A_783, %get3A_784] {strides = array<i32>} : memref<50x128xi32, #tpu.memory_space<vmem>>, vector<1x16xi32>,
      %get3A_786 = vector.shape_cast %get3A_785 : vector<1x16xi32> to vector<16xi32>
      %ne3A_787 = arith.constant 0 : i32
      %ne3A_788 = vector.broadcast %ne3A_787 : i32 to vector<16xi32>
      %ne3A_789 = arith.cmpi ne, %get3A_786, %ne3A_788 : vector<16xi32>
      %jit3A_790 = arith.constant 1.000000e+00 : f32
      %jit3A_791 = arith.constant 0.000000e+00 : f32
      %broadcast_in_dim3A_792 = vector.broadcast %jit3A_790 : f32 to vector<16xf32>
      %broadcast_in_dim3A_793 = vector.broadcast %jit3A_791 : f32 to vector<16xf32>
      %select_n3A_794 = arith.select %ne3A_789, %broadcast_in_dim3A_792, %broadcast_in_dim3A_793 : vector<16xi1>, vector<16xf32>
      %swap3A_795 = arith.index_cast %add3A_748 : i32 to index
      %swap3A_796 = arith.constant 16 : index
      %swap3A_797 = tpu.vector_load %arg7[%swap3A_795, %swap3A_796] {strides = array<i32>} : memref<50x128xf32, #tpu.memory_space<vmem>>, vector<1x16xf32>,
      %swap3A_798 = vector.shape_cast %swap3A_797 : vector<1x16xf32> to vector<16xf32>
      %swap3A_799 = vector.shape_cast %select_n3A_794 : vector<16xf32> to vector<1x16xf32>
      tpu.vector_store %arg7[%swap3A_795, %swap3A_796], %swap3A_799 {strides = array<i32>} : memref<50x128xf32, #tpu.memory_space<vmem>>, vector<1x16xf32>,
      %get3A_800 = arith.index_cast %add3A_748 : i32 to index
      %get3A_801 = arith.constant 32 : index
      %get3A_802 = tpu.vector_load %arg6[%get3A_800, %get3A_801] {strides = array<i32>} : memref<50x128xi32, #tpu.memory_space<vmem>>, vector<1x16xi32>,
      %get3A_803 = vector.shape_cast %get3A_802 : vector<1x16xi32> to vector<16xi32>
      %ne3A_804 = arith.constant 0 : i32
      %ne3A_805 = vector.broadcast %ne3A_804 : i32 to vector<16xi32>
      %ne3A_806 = arith.cmpi ne, %get3A_803, %ne3A_805 : vector<16xi32>
      %jit3A_807 = arith.constant 1.000000e+00 : f32
      %jit3A_808 = arith.constant 0.000000e+00 : f32
      %broadcast_in_dim3A_809 = vector.broadcast %jit3A_807 : f32 to vector<16xf32>
      %broadcast_in_dim3A_810 = vector.broadcast %jit3A_808 : f32 to vector<16xf32>
      %select_n3A_811 = arith.select %ne3A_806, %broadcast_in_dim3A_809, %broadcast_in_dim3A_810 : vector<16xi1>, vector<16xf32>
      %swap3A_812 = arith.index_cast %add3A_748 : i32 to index
      %swap3A_813 = arith.constant 32 : index
      %swap3A_814 = tpu.vector_load %arg7[%swap3A_812, %swap3A_813] {strides = array<i32>} : memref<50x128xf32, #tpu.memory_space<vmem>>, vector<1x16xf32>,
      %swap3A_815 = vector.shape_cast %swap3A_814 : vector<1x16xf32> to vector<16xf32>
      %swap3A_816 = vector.shape_cast %select_n3A_811 : vector<16xf32> to vector<1x16xf32>
      tpu.vector_store %arg7[%swap3A_812, %swap3A_813], %swap3A_816 {strides = array<i32>} : memref<50x128xf32, #tpu.memory_space<vmem>>, vector<1x16xf32>,
      %get3A_817 = arith.index_cast %add3A_748 : i32 to index
      %get3A_818 = arith.constant 48 : index
      %get3A_819 = tpu.vector_load %arg6[%get3A_817, %get3A_818] {strides = array<i32>} : memref<50x128xi32, #tpu.memory_space<vmem>>, vector<1x16xi32>,
      %get3A_820 = vector.shape_cast %get3A_819 : vector<1x16xi32> to vector<16xi32>
      %ne3A_821 = arith.constant 0 : i32
      %ne3A_822 = vector.broadcast %ne3A_821 : i32 to vector<16xi32>
      %ne3A_823 = arith.cmpi ne, %get3A_820, %ne3A_822 : vector<16xi32>
      %jit3A_824 = arith.constant 1.000000e+00 : f32
      %jit3A_825 = arith.constant 0.000000e+00 : f32
      %broadcast_in_dim3A_826 = vector.broadcast %jit3A_824 : f32 to vector<16xf32>
      %broadcast_in_dim3A_827 = vector.broadcast %jit3A_825 : f32 to vector<16xf32>
      %select_n3A_828 = arith.select %ne3A_823, %broadcast_in_dim3A_826, %broadcast_in_dim3A_827 : vector<16xi1>, vector<16xf32>
      %swap3A_829 = arith.index_cast %add3A_748 : i32 to index
      %swap3A_830 = arith.constant 48 : index
      %swap3A_831 = tpu.vector_load %arg7[%swap3A_829, %swap3A_830] {strides = array<i32>} : memref<50x128xf32, #tpu.memory_space<vmem>>, vector<1x16xf32>,
      %swap3A_832 = vector.shape_cast %swap3A_831 : vector<1x16xf32> to vector<16xf32>
      %swap3A_833 = vector.shape_cast %select_n3A_828 : vector<16xf32> to vector<1x16xf32>
      tpu.vector_store %arg7[%swap3A_829, %swap3A_830], %swap3A_833 {strides = array<i32>} : memref<50x128xf32, #tpu.memory_space<vmem>>, vector<1x16xf32>,
      %get3A_834 = arith.index_cast %add3A_748 : i32 to index
      %get3A_835 = arith.constant 64 : index
      %get3A_836 = tpu.vector_load %arg6[%get3A_834, %get3A_835] {strides = array<i32>} : memref<50x128xi32, #tpu.memory_space<vmem>>, vector<1x16xi32>,
      %get3A_837 = vector.shape_cast %get3A_836 : vector<1x16xi32> to vector<16xi32>
      %ne3A_838 = arith.constant 0 : i32
      %ne3A_839 = vector.broadcast %ne3A_838 : i32 to vector<16xi32>
      %ne3A_840 = arith.cmpi ne, %get3A_837, %ne3A_839 : vector<16xi32>
      %jit3A_841 = arith.constant 1.000000e+00 : f32
      %jit3A_842 = arith.constant 0.000000e+00 : f32
      %broadcast_in_dim3A_843 = vector.broadcast %jit3A_841 : f32 to vector<16xf32>
      %broadcast_in_dim3A_844 = vector.broadcast %jit3A_842 : f32 to vector<16xf32>
      %select_n3A_845 = arith.select %ne3A_840, %broadcast_in_dim3A_843, %broadcast_in_dim3A_844 : vector<16xi1>, vector<16xf32>
      %swap3A_846 = arith.index_cast %add3A_748 : i32 to index
      %swap3A_847 = arith.constant 64 : index
      %swap3A_848 = tpu.vector_load %arg7[%swap3A_846, %swap3A_847] {strides = array<i32>} : memref<50x128xf32, #tpu.memory_space<vmem>>, vector<1x16xf32>,
      %swap3A_849 = vector.shape_cast %swap3A_848 : vector<1x16xf32> to vector<16xf32>
      %swap3A_850 = vector.shape_cast %select_n3A_845 : vector<16xf32> to vector<1x16xf32>
      tpu.vector_store %arg7[%swap3A_846, %swap3A_847], %swap3A_850 {strides = array<i32>} : memref<50x128xf32, #tpu.memory_space<vmem>>, vector<1x16xf32>,
      %get3A_851 = arith.index_cast %add3A_748 : i32 to index
      %get3A_852 = arith.constant 80 : index
      %get3A_853 = tpu.vector_load %arg6[%get3A_851, %get3A_852] {strides = array<i32>} : memref<50x128xi32, #tpu.memory_space<vmem>>, vector<1x16xi32>,
      %get3A_854 = vector.shape_cast %get3A_853 : vector<1x16xi32> to vector<16xi32>
      %ne3A_855 = arith.constant 0 : i32
      %ne3A_856 = vector.broadcast %ne3A_855 : i32 to vector<16xi32>
      %ne3A_857 = arith.cmpi ne, %get3A_854, %ne3A_856 : vector<16xi32>
      %jit3A_858 = arith.constant 1.000000e+00 : f32
      %jit3A_859 = arith.constant 0.000000e+00 : f32
      %broadcast_in_dim3A_860 = vector.broadcast %jit3A_858 : f32 to vector<16xf32>
      %broadcast_in_dim3A_861 = vector.broadcast %jit3A_859 : f32 to vector<16xf32>
      %select_n3A_862 = arith.select %ne3A_857, %broadcast_in_dim3A_860, %broadcast_in_dim3A_861 : vector<16xi1>, vector<16xf32>
      %swap3A_863 = arith.index_cast %add3A_748 : i32 to index
      %swap3A_864 = arith.constant 80 : index
      %swap3A_865 = tpu.vector_load %arg7[%swap3A_863, %swap3A_864] {strides = array<i32>} : memref<50x128xf32, #tpu.memory_space<vmem>>, vector<1x16xf32>,
      %swap3A_866 = vector.shape_cast %swap3A_865 : vector<1x16xf32> to vector<16xf32>
      %swap3A_867 = vector.shape_cast %select_n3A_862 : vector<16xf32> to vector<1x16xf32>
      tpu.vector_store %arg7[%swap3A_863, %swap3A_864], %swap3A_867 {strides = array<i32>} : memref<50x128xf32, #tpu.memory_space<vmem>>, vector<1x16xf32>,
      %get3A_868 = arith.index_cast %add3A_748 : i32 to index
      %get3A_869 = arith.constant 96 : index
      %get3A_870 = tpu.vector_load %arg6[%get3A_868, %get3A_869] {strides = array<i32>} : memref<50x128xi32, #tpu.memory_space<vmem>>, vector<1x16xi32>,
      %get3A_871 = vector.shape_cast %get3A_870 : vector<1x16xi32> to vector<16xi32>
      %ne3A_872 = arith.constant 0 : i32
      %ne3A_873 = vector.broadcast %ne3A_872 : i32 to vector<16xi32>
      %ne3A_874 = arith.cmpi ne, %get3A_871, %ne3A_873 : vector<16xi32>
      %jit3A_875 = arith.constant 1.000000e+00 : f32
      %jit3A_876 = arith.constant 0.000000e+00 : f32
      %broadcast_in_dim3A_877 = vector.broadcast %jit3A_875 : f32 to vector<16xf32>
      %broadcast_in_dim3A_878 = vector.broadcast %jit3A_876 : f32 to vector<16xf32>
      %select_n3A_879 = arith.select %ne3A_874, %broadcast_in_dim3A_877, %broadcast_in_dim3A_878 : vector<16xi1>, vector<16xf32>
      %swap3A_880 = arith.index_cast %add3A_748 : i32 to index
      %swap3A_881 = arith.constant 96 : index
      %swap3A_882 = tpu.vector_load %arg7[%swap3A_880, %swap3A_881] {strides = array<i32>} : memref<50x128xf32, #tpu.memory_space<vmem>>, vector<1x16xf32>,
      %swap3A_883 = vector.shape_cast %swap3A_882 : vector<1x16xf32> to vector<16xf32>
      %swap3A_884 = vector.shape_cast %select_n3A_879 : vector<16xf32> to vector<1x16xf32>
      tpu.vector_store %arg7[%swap3A_880, %swap3A_881], %swap3A_884 {strides = array<i32>} : memref<50x128xf32, #tpu.memory_space<vmem>>, vector<1x16xf32>,
      %get3A_885 = arith.index_cast %add3A_748 : i32 to index
      %get3A_886 = arith.constant 112 : index
      %get3A_887 = tpu.vector_load %arg6[%get3A_885, %get3A_886] {strides = array<i32>} : memref<50x128xi32, #tpu.memory_space<vmem>>, vector<1x16xi32>,
      %get3A_888 = vector.shape_cast %get3A_887 : vector<1x16xi32> to vector<16xi32>
      %ne3A_889 = arith.constant 0 : i32
      %ne3A_890 = vector.broadcast %ne3A_889 : i32 to vector<16xi32>
      %ne3A_891 = arith.cmpi ne, %get3A_888, %ne3A_890 : vector<16xi32>
      %jit3A_892 = arith.constant 1.000000e+00 : f32
      %jit3A_893 = arith.constant 0.000000e+00 : f32
      %broadcast_in_dim3A_894 = vector.broadcast %jit3A_892 : f32 to vector<16xf32>
      %broadcast_in_dim3A_895 = vector.broadcast %jit3A_893 : f32 to vector<16xf32>
      %select_n3A_896 = arith.select %ne3A_891, %broadcast_in_dim3A_894, %broadcast_in_dim3A_895 : vector<16xi1>, vector<16xf32>
      %swap3A_897 = arith.index_cast %add3A_748 : i32 to index
      %swap3A_898 = arith.constant 112 : index
      %swap3A_899 = tpu.vector_load %arg7[%swap3A_897, %swap3A_898] {strides = array<i32>} : memref<50x128xf32, #tpu.memory_space<vmem>>, vector<1x16xf32>,
      %swap3A_900 = vector.shape_cast %swap3A_899 : vector<1x16xf32> to vector<16xf32>
      %swap3A_901 = vector.shape_cast %select_n3A_896 : vector<16xf32> to vector<1x16xf32>
      tpu.vector_store %arg7[%swap3A_897, %swap3A_898], %swap3A_901 {strides = array<i32>} : memref<50x128xf32, #tpu.memory_space<vmem>>, vector<1x16xf32>,
      %dma_wait3A_902 = arith.constant 3 : i32
      %dma_wait3A_903 = arith.constant 3 : i32
      %dma_wait3A_904 = arith.constant 0 : i32
      %dma_wait3A_905 = arith.constant 0 : i32
      %dma_wait3A_906 = tpu.memref_slice %arg8[%dma_wait3A_902, %dma_wait3A_904, %dma_wait3A_905] : memref<5x128x128xf32, #tpu.memory_space<vmem>> -> memref<1x128x128xf32, #tpu.memory_space<vmem>>
      %dma_wait3A_907 = tpu.memref_squeeze %dma_wait3A_906 : memref<1x128x128xf32, #tpu.memory_space<vmem>> -> memref<128x128xf32, #tpu.memory_space<vmem>>
      %dma_wait3A_908 = arith.constant 0 : i32
      %dma_wait3A_909 = tpu.memref_slice %arg6[%add3A_748, %dma_wait3A_908] : memref<50x128xi32, #tpu.memory_space<vmem>> -> memref<1x128xi32, #tpu.memory_space<vmem>>
      %dma_wait3A_910 = tpu.memref_squeeze %dma_wait3A_909 : memref<1x128xi32, #tpu.memory_space<vmem>> -> memref<128xi32, #tpu.memory_space<vmem>>
      %dma_wait3A_911 = arith.constant 0 : i32
      %dma_wait3A_912 = arith.constant 0 : i32
      %dma_wait3A_913 = tpu.memref_slice %arg2[%dma_wait3A_911, %dma_wait3A_912] : memref<100000x128xf32, #tpu.memory_space<hbm>> -> memref<100000x128xf32, #tpu.memory_space<hbm>>
      %dma_wait3A_914 = tpu.memref_slice %arg9[%dma_wait3A_903] : memref<5x!tpu.dma_semaphore, #tpu.memory_space<semaphore_mem>> -> memref<1x!tpu.dma_semaphore, #tpu.memory_space<semaphore_mem>>
      %dma_wait3A_915 = tpu.memref_squeeze %dma_wait3A_914 : memref<1x!tpu.dma_semaphore, #tpu.memory_space<semaphore_mem>> -> memref<!tpu.dma_semaphore, #tpu.memory_space<semaphore_mem>>
      tpu.wait_indirect_dma semaphore(%dma_wait3A_915 : memref<!tpu.dma_semaphore, #tpu.memory_space<semaphore_mem>>) src(%dma_wait3A_913 : memref<100000x128xf32, #tpu.memory_space<hbm>>) dst(%dma_wait3A_907 : memref<128x128xf32, #tpu.memory_space<vmem>>)
      %mul3A_916 = arith.constant 128 : i32
      %mul3A_917 = arith.muli %add3A_748, %mul3A_916 : i32
      %add3A_918 = arith.addi %mul3A_15, %mul3A_917 : i32
      %dma_start3A_919 = arith.constant 3 : i32
      %dma_start3A_920 = arith.constant 3 : i32
      %dma_start3A_921 = arith.constant 0 : i32
      %dma_start3A_922 = arith.constant 0 : i32
      %dma_start3A_923 = tpu.memref_slice %arg8[%dma_start3A_919, %dma_start3A_921, %dma_start3A_922] : memref<5x128x128xf32, #tpu.memory_space<vmem>> -> memref<1x128x128xf32, #tpu.memory_space<vmem>>
      %dma_start3A_924 = tpu.memref_squeeze %dma_start3A_923 : memref<1x128x128xf32, #tpu.memory_space<vmem>> -> memref<128x128xf32, #tpu.memory_space<vmem>>
      %dma_start3A_925 = arith.constant 0 : i32
      %dma_start3A_926 = tpu.memref_slice %arg4[%add3A_918, %dma_start3A_925] : memref<204800x128xf32, #tpu.memory_space<hbm>> -> memref<128x128xf32, #tpu.memory_space<hbm>>
      %dma_start3A_927 = tpu.memref_slice %arg10[%dma_start3A_920] : memref<5x!tpu.dma_semaphore, #tpu.memory_space<semaphore_mem>> -> memref<1x!tpu.dma_semaphore, #tpu.memory_space<semaphore_mem>>
      %dma_start3A_928 = tpu.memref_squeeze %dma_start3A_927 : memref<1x!tpu.dma_semaphore, #tpu.memory_space<semaphore_mem>> -> memref<!tpu.dma_semaphore, #tpu.memory_space<semaphore_mem>>
      %dma_start3A_929 = arith.constant 0 : i32
      %dma_start3A_930 = tpu.memref_slice %arg4[%add3A_918, %dma_start3A_929] : memref<204800x128xf32, #tpu.memory_space<hbm>> -> memref<128x128xf32, #tpu.memory_space<hbm>>
      %dma_start3A_931 = arith.constant 0 : i32
      %dma_start3A_932 = arith.constant 0 : i32
      %dma_start3A_933 = tpu.memref_slice %arg8[%dma_start3A_919, %dma_start3A_931, %dma_start3A_932] : memref<5x128x128xf32, #tpu.memory_space<vmem>> -> memref<1x128x128xf32, #tpu.memory_space<vmem>>
      %dma_start3A_934 = tpu.memref_squeeze %dma_start3A_933 : memref<1x128x128xf32, #tpu.memory_space<vmem>> -> memref<128x128xf32, #tpu.memory_space<vmem>>
      tpu.enqueue_dma source(%dma_start3A_934 : memref<128x128xf32, #tpu.memory_space<vmem>>) target(%dma_start3A_930 : memref<128x128xf32, #tpu.memory_space<hbm>>) target_semaphore(%dma_start3A_928 : memref<!tpu.dma_semaphore, #tpu.memory_space<semaphore_mem>>)
      %mul3A_935 = arith.constant 5 : i32
      %mul3A_936 = arith.muli %scan3A_185, %mul3A_935 : i32
      %add3A_937 = arith.constant 4 : i32
      %add3A_938 = arith.addi %mul3A_936, %add3A_937 : i32
      %ge3A_939 = arith.constant 2 : i32
      %ge3A_940 = arith.cmpi sge, %add3A_938, %ge3A_939 : i32
      %add3A_941 = arith.constant 3 : i32
      %add3A_942 = arith.addi %add3A_938, %add3A_941 : i32
      %lt3A_943 = arith.constant 50 : i32
      %lt3A_944 = arith.cmpi slt, %add3A_942, %lt3A_943 : i32
      %and3A_945 = arith.andi %ge3A_940, %lt3A_944 : i1
      %convert_element_type3A_946 = arith.extui %and3A_945 : i1 to i32
      %cond3A_947 = arith.constant 0 : i32
      %cond3A_948 = arith.cmpi ne, %convert_element_type3A_946, %cond3A_947 : i32
      scf.if %cond3A_948 {
        %add3A_1125 = arith.constant 3 : i32
        %add3A_1126 = arith.addi %add3A_938, %add3A_1125 : i32
        %sub3A = arith.constant 5 : i32
        %sub3A_1127 = arith.subi %add3A_1126, %sub3A : i32
        %mul3A_1128 = arith.constant 128 : i32
        %mul3A_1129 = arith.muli %sub3A_1127, %mul3A_1128 : i32
        %add3A_1130 = arith.addi %mul3A_15, %mul3A_1129 : i32
        %dma_wait3A_1131 = arith.constant 2 : i32
        %dma_wait3A_1132 = arith.constant 2 : i32
        %dma_wait3A_1133 = arith.constant 0 : i32
        %dma_wait3A_1134 = arith.constant 0 : i32
        %dma_wait3A_1135 = tpu.memref_slice %arg8[%dma_wait3A_1131, %dma_wait3A_1133, %dma_wait3A_1134] : memref<5x128x128xf32, #tpu.memory_space<vmem>> -> memref<1x128x128xf32, #tpu.memory_space<vmem>>
        %dma_wait3A_1136 = tpu.memref_squeeze %dma_wait3A_1135 : memref<1x128x128xf32, #tpu.memory_space<vmem>> -> memref<128x128xf32, #tpu.memory_space<vmem>>
        %dma_wait3A_1137 = arith.constant 0 : i32
        %dma_wait3A_1138 = tpu.memref_slice %arg4[%add3A_1130, %dma_wait3A_1137] : memref<204800x128xf32, #tpu.memory_space<hbm>> -> memref<128x128xf32, #tpu.memory_space<hbm>>
        %dma_wait3A_1139 = tpu.memref_slice %arg10[%dma_wait3A_1132] : memref<5x!tpu.dma_semaphore, #tpu.memory_space<semaphore_mem>> -> memref<1x!tpu.dma_semaphore, #tpu.memory_space<semaphore_mem>>
        %dma_wait3A_1140 = tpu.memref_squeeze %dma_wait3A_1139 : memref<1x!tpu.dma_semaphore, #tpu.memory_space<semaphore_mem>> -> memref<!tpu.dma_semaphore, #tpu.memory_space<semaphore_mem>>
        %dma_wait3A_1141 = arith.constant 0 : i32
        %dma_wait3A_1142 = tpu.memref_slice %arg4[%add3A_1130, %dma_wait3A_1141] : memref<204800x128xf32, #tpu.memory_space<hbm>> -> memref<128x128xf32, #tpu.memory_space<hbm>>
        %dma_wait3A_1143 = arith.constant 0 : i32
        %dma_wait3A_1144 = arith.constant 0 : i32
        %dma_wait3A_1145 = tpu.memref_slice %arg8[%dma_wait3A_1131, %dma_wait3A_1143, %dma_wait3A_1144] : memref<5x128x128xf32, #tpu.memory_space<vmem>> -> memref<1x128x128xf32, #tpu.memory_space<vmem>>
        %dma_wait3A_1146 = tpu.memref_squeeze %dma_wait3A_1145 : memref<1x128x128xf32, #tpu.memory_space<vmem>> -> memref<128x128xf32, #tpu.memory_space<vmem>>
        tpu.wait_dma2 semaphore(%dma_wait3A_1140 : memref<!tpu.dma_semaphore, #tpu.memory_space<semaphore_mem>>) src(%dma_wait3A_1146 : memref<128x128xf32, #tpu.memory_space<vmem>>) dst(%dma_wait3A_1142 : memref<128x128xf32, #tpu.memory_space<hbm>>)
      } else {
      }
      %add3A_949 = arith.constant 3 : i32
      %add3A_950 = arith.addi %add3A_938, %add3A_949 : i32
      %lt3A_951 = arith.constant 50 : i32
      %lt3A_952 = arith.cmpi slt, %add3A_950, %lt3A_951 : i32
      %convert_element_type3A_953 = arith.extui %lt3A_952 : i1 to i32
      %cond3A_954 = arith.constant 0 : i32
      %cond3A_955 = arith.cmpi ne, %convert_element_type3A_953, %cond3A_954 : i32
      scf.if %cond3A_955 {
        %add3A_1125 = arith.constant 3 : i32
        %add3A_1126 = arith.addi %add3A_938, %add3A_1125 : i32
        %dma_start3A_1127 = arith.constant 2 : i32
        %dma_start3A_1128 = arith.constant 2 : i32
        %dma_start3A_1129 = arith.constant 0 : i32
        %dma_start3A_1130 = arith.constant 0 : i32
        %dma_start3A_1131 = tpu.memref_slice %arg8[%dma_start3A_1127, %dma_start3A_1129, %dma_start3A_1130] : memref<5x128x128xf32, #tpu.memory_space<vmem>> -> memref<1x128x128xf32, #tpu.memory_space<vmem>>
        %dma_start3A_1132 = tpu.memref_squeeze %dma_start3A_1131 : memref<1x128x128xf32, #tpu.memory_space<vmem>> -> memref<128x128xf32, #tpu.memory_space<vmem>>
        %dma_start3A_1133 = arith.constant 0 : i32
        %dma_start3A_1134 = tpu.memref_slice %arg6[%add3A_1126, %dma_start3A_1133] : memref<50x128xi32, #tpu.memory_space<vmem>> -> memref<1x128xi32, #tpu.memory_space<vmem>>
        %dma_start3A_1135 = tpu.memref_squeeze %dma_start3A_1134 : memref<1x128xi32, #tpu.memory_space<vmem>> -> memref<128xi32, #tpu.memory_space<vmem>>
        %dma_start3A_1136 = arith.constant 0 : i32
        %dma_start3A_1137 = arith.constant 0 : i32
        %dma_start3A_1138 = tpu.memref_slice %arg2[%dma_start3A_1136, %dma_start3A_1137] : memref<100000x128xf32, #tpu.memory_space<hbm>> -> memref<100000x128xf32, #tpu.memory_space<hbm>>
        %dma_start3A_1139 = tpu.memref_slice %arg9[%dma_start3A_1128] : memref<5x!tpu.dma_semaphore, #tpu.memory_space<semaphore_mem>> -> memref<1x!tpu.dma_semaphore, #tpu.memory_space<semaphore_mem>>
        %dma_start3A_1140 = tpu.memref_squeeze %dma_start3A_1139 : memref<1x!tpu.dma_semaphore, #tpu.memory_space<semaphore_mem>> -> memref<!tpu.dma_semaphore, #tpu.memory_space<semaphore_mem>>
        tpu.enqueue_indirect_dma source(%dma_start3A_1138 : memref<100000x128xf32, #tpu.memory_space<hbm>>) target(%dma_start3A_1132 : memref<128x128xf32, #tpu.memory_space<vmem>>) offsets(%dma_start3A_1135 : memref<128xi32, #tpu.memory_space<vmem>>) semaphore(%dma_start3A_1140 : memref<!tpu.dma_semaphore, #tpu.memory_space<semaphore_mem>>)
      } else {
      }
      %get3A_956 = arith.index_cast %add3A_938 : i32 to index
      %get3A_957 = arith.constant 0 : index
      %get3A_958 = tpu.vector_load %arg6[%get3A_956, %get3A_957] {strides = array<i32>} : memref<50x128xi32, #tpu.memory_space<vmem>>, vector<1x16xi32>,
      %get3A_959 = vector.shape_cast %get3A_958 : vector<1x16xi32> to vector<16xi32>
      %ne3A_960 = arith.constant 0 : i32
      %ne3A_961 = vector.broadcast %ne3A_960 : i32 to vector<16xi32>
      %ne3A_962 = arith.cmpi ne, %get3A_959, %ne3A_961 : vector<16xi32>
      %jit3A_963 = arith.constant 1.000000e+00 : f32
      %jit3A_964 = arith.constant 0.000000e+00 : f32
      %broadcast_in_dim3A_965 = vector.broadcast %jit3A_963 : f32 to vector<16xf32>
      %broadcast_in_dim3A_966 = vector.broadcast %jit3A_964 : f32 to vector<16xf32>
      %select_n3A_967 = arith.select %ne3A_962, %broadcast_in_dim3A_965, %broadcast_in_dim3A_966 : vector<16xi1>, vector<16xf32>
      %swap3A_968 = arith.index_cast %add3A_938 : i32 to index
      %swap3A_969 = arith.constant 0 : index
      %swap3A_970 = tpu.vector_load %arg7[%swap3A_968, %swap3A_969] {strides = array<i32>} : memref<50x128xf32, #tpu.memory_space<vmem>>, vector<1x16xf32>,
      %swap3A_971 = vector.shape_cast %swap3A_970 : vector<1x16xf32> to vector<16xf32>
      %swap3A_972 = vector.shape_cast %select_n3A_967 : vector<16xf32> to vector<1x16xf32>
      tpu.vector_store %arg7[%swap3A_968, %swap3A_969], %swap3A_972 {strides = array<i32>} : memref<50x128xf32, #tpu.memory_space<vmem>>, vector<1x16xf32>,
      %get3A_973 = arith.index_cast %add3A_938 : i32 to index
      %get3A_974 = arith.constant 16 : index
      %get3A_975 = tpu.vector_load %arg6[%get3A_973, %get3A_974] {strides = array<i32>} : memref<50x128xi32, #tpu.memory_space<vmem>>, vector<1x16xi32>,
      %get3A_976 = vector.shape_cast %get3A_975 : vector<1x16xi32> to vector<16xi32>
      %ne3A_977 = arith.constant 0 : i32
      %ne3A_978 = vector.broadcast %ne3A_977 : i32 to vector<16xi32>
      %ne3A_979 = arith.cmpi ne, %get3A_976, %ne3A_978 : vector<16xi32>
      %jit3A_980 = arith.constant 1.000000e+00 : f32
      %jit3A_981 = arith.constant 0.000000e+00 : f32
      %broadcast_in_dim3A_982 = vector.broadcast %jit3A_980 : f32 to vector<16xf32>
      %broadcast_in_dim3A_983 = vector.broadcast %jit3A_981 : f32 to vector<16xf32>
      %select_n3A_984 = arith.select %ne3A_979, %broadcast_in_dim3A_982, %broadcast_in_dim3A_983 : vector<16xi1>, vector<16xf32>
      %swap3A_985 = arith.index_cast %add3A_938 : i32 to index
      %swap3A_986 = arith.constant 16 : index
      %swap3A_987 = tpu.vector_load %arg7[%swap3A_985, %swap3A_986] {strides = array<i32>} : memref<50x128xf32, #tpu.memory_space<vmem>>, vector<1x16xf32>,
      %swap3A_988 = vector.shape_cast %swap3A_987 : vector<1x16xf32> to vector<16xf32>
      %swap3A_989 = vector.shape_cast %select_n3A_984 : vector<16xf32> to vector<1x16xf32>
      tpu.vector_store %arg7[%swap3A_985, %swap3A_986], %swap3A_989 {strides = array<i32>} : memref<50x128xf32, #tpu.memory_space<vmem>>, vector<1x16xf32>,
      %get3A_990 = arith.index_cast %add3A_938 : i32 to index
      %get3A_991 = arith.constant 32 : index
      %get3A_992 = tpu.vector_load %arg6[%get3A_990, %get3A_991] {strides = array<i32>} : memref<50x128xi32, #tpu.memory_space<vmem>>, vector<1x16xi32>,
      %get3A_993 = vector.shape_cast %get3A_992 : vector<1x16xi32> to vector<16xi32>
      %ne3A_994 = arith.constant 0 : i32
      %ne3A_995 = vector.broadcast %ne3A_994 : i32 to vector<16xi32>
      %ne3A_996 = arith.cmpi ne, %get3A_993, %ne3A_995 : vector<16xi32>
      %jit3A_997 = arith.constant 1.000000e+00 : f32
      %jit3A_998 = arith.constant 0.000000e+00 : f32
      %broadcast_in_dim3A_999 = vector.broadcast %jit3A_997 : f32 to vector<16xf32>
      %broadcast_in_dim3A_1000 = vector.broadcast %jit3A_998 : f32 to vector<16xf32>
      %select_n3A_1001 = arith.select %ne3A_996, %broadcast_in_dim3A_999, %broadcast_in_dim3A_1000 : vector<16xi1>, vector<16xf32>
      %swap3A_1002 = arith.index_cast %add3A_938 : i32 to index
      %swap3A_1003 = arith.constant 32 : index
      %swap3A_1004 = tpu.vector_load %arg7[%swap3A_1002, %swap3A_1003] {strides = array<i32>} : memref<50x128xf32, #tpu.memory_space<vmem>>, vector<1x16xf32>,
      %swap3A_1005 = vector.shape_cast %swap3A_1004 : vector<1x16xf32> to vector<16xf32>
      %swap3A_1006 = vector.shape_cast %select_n3A_1001 : vector<16xf32> to vector<1x16xf32>
      tpu.vector_store %arg7[%swap3A_1002, %swap3A_1003], %swap3A_1006 {strides = array<i32>} : memref<50x128xf32, #tpu.memory_space<vmem>>, vector<1x16xf32>,
      %get3A_1007 = arith.index_cast %add3A_938 : i32 to index
      %get3A_1008 = arith.constant 48 : index
      %get3A_1009 = tpu.vector_load %arg6[%get3A_1007, %get3A_1008] {strides = array<i32>} : memref<50x128xi32, #tpu.memory_space<vmem>>, vector<1x16xi32>,
      %get3A_1010 = vector.shape_cast %get3A_1009 : vector<1x16xi32> to vector<16xi32>
      %ne3A_1011 = arith.constant 0 : i32
      %ne3A_1012 = vector.broadcast %ne3A_1011 : i32 to vector<16xi32>
      %ne3A_1013 = arith.cmpi ne, %get3A_1010, %ne3A_1012 : vector<16xi32>
      %jit3A_1014 = arith.constant 1.000000e+00 : f32
      %jit3A_1015 = arith.constant 0.000000e+00 : f32
      %broadcast_in_dim3A_1016 = vector.broadcast %jit3A_1014 : f32 to vector<16xf32>
      %broadcast_in_dim3A_1017 = vector.broadcast %jit3A_1015 : f32 to vector<16xf32>
      %select_n3A_1018 = arith.select %ne3A_1013, %broadcast_in_dim3A_1016, %broadcast_in_dim3A_1017 : vector<16xi1>, vector<16xf32>
      %swap3A_1019 = arith.index_cast %add3A_938 : i32 to index
      %swap3A_1020 = arith.constant 48 : index
      %swap3A_1021 = tpu.vector_load %arg7[%swap3A_1019, %swap3A_1020] {strides = array<i32>} : memref<50x128xf32, #tpu.memory_space<vmem>>, vector<1x16xf32>,
      %swap3A_1022 = vector.shape_cast %swap3A_1021 : vector<1x16xf32> to vector<16xf32>
      %swap3A_1023 = vector.shape_cast %select_n3A_1018 : vector<16xf32> to vector<1x16xf32>
      tpu.vector_store %arg7[%swap3A_1019, %swap3A_1020], %swap3A_1023 {strides = array<i32>} : memref<50x128xf32, #tpu.memory_space<vmem>>, vector<1x16xf32>,
      %get3A_1024 = arith.index_cast %add3A_938 : i32 to index
      %get3A_1025 = arith.constant 64 : index
      %get3A_1026 = tpu.vector_load %arg6[%get3A_1024, %get3A_1025] {strides = array<i32>} : memref<50x128xi32, #tpu.memory_space<vmem>>, vector<1x16xi32>,
      %get3A_1027 = vector.shape_cast %get3A_1026 : vector<1x16xi32> to vector<16xi32>
      %ne3A_1028 = arith.constant 0 : i32
      %ne3A_1029 = vector.broadcast %ne3A_1028 : i32 to vector<16xi32>
      %ne3A_1030 = arith.cmpi ne, %get3A_1027, %ne3A_1029 : vector<16xi32>
      %jit3A_1031 = arith.constant 1.000000e+00 : f32
      %jit3A_1032 = arith.constant 0.000000e+00 : f32
      %broadcast_in_dim3A_1033 = vector.broadcast %jit3A_1031 : f32 to vector<16xf32>
      %broadcast_in_dim3A_1034 = vector.broadcast %jit3A_1032 : f32 to vector<16xf32>
      %select_n3A_1035 = arith.select %ne3A_1030, %broadcast_in_dim3A_1033, %broadcast_in_dim3A_1034 : vector<16xi1>, vector<16xf32>
      %swap3A_1036 = arith.index_cast %add3A_938 : i32 to index
      %swap3A_1037 = arith.constant 64 : index
      %swap3A_1038 = tpu.vector_load %arg7[%swap3A_1036, %swap3A_1037] {strides = array<i32>} : memref<50x128xf32, #tpu.memory_space<vmem>>, vector<1x16xf32>,
      %swap3A_1039 = vector.shape_cast %swap3A_1038 : vector<1x16xf32> to vector<16xf32>
      %swap3A_1040 = vector.shape_cast %select_n3A_1035 : vector<16xf32> to vector<1x16xf32>
      tpu.vector_store %arg7[%swap3A_1036, %swap3A_1037], %swap3A_1040 {strides = array<i32>} : memref<50x128xf32, #tpu.memory_space<vmem>>, vector<1x16xf32>,
      %get3A_1041 = arith.index_cast %add3A_938 : i32 to index
      %get3A_1042 = arith.constant 80 : index
      %get3A_1043 = tpu.vector_load %arg6[%get3A_1041, %get3A_1042] {strides = array<i32>} : memref<50x128xi32, #tpu.memory_space<vmem>>, vector<1x16xi32>,
      %get3A_1044 = vector.shape_cast %get3A_1043 : vector<1x16xi32> to vector<16xi32>
      %ne3A_1045 = arith.constant 0 : i32
      %ne3A_1046 = vector.broadcast %ne3A_1045 : i32 to vector<16xi32>
      %ne3A_1047 = arith.cmpi ne, %get3A_1044, %ne3A_1046 : vector<16xi32>
      %jit3A_1048 = arith.constant 1.000000e+00 : f32
      %jit3A_1049 = arith.constant 0.000000e+00 : f32
      %broadcast_in_dim3A_1050 = vector.broadcast %jit3A_1048 : f32 to vector<16xf32>
      %broadcast_in_dim3A_1051 = vector.broadcast %jit3A_1049 : f32 to vector<16xf32>
      %select_n3A_1052 = arith.select %ne3A_1047, %broadcast_in_dim3A_1050, %broadcast_in_dim3A_1051 : vector<16xi1>, vector<16xf32>
      %swap3A_1053 = arith.index_cast %add3A_938 : i32 to index
      %swap3A_1054 = arith.constant 80 : index
      %swap3A_1055 = tpu.vector_load %arg7[%swap3A_1053, %swap3A_1054] {strides = array<i32>} : memref<50x128xf32, #tpu.memory_space<vmem>>, vector<1x16xf32>,
      %swap3A_1056 = vector.shape_cast %swap3A_1055 : vector<1x16xf32> to vector<16xf32>
      %swap3A_1057 = vector.shape_cast %select_n3A_1052 : vector<16xf32> to vector<1x16xf32>
      tpu.vector_store %arg7[%swap3A_1053, %swap3A_1054], %swap3A_1057 {strides = array<i32>} : memref<50x128xf32, #tpu.memory_space<vmem>>, vector<1x16xf32>,
      %get3A_1058 = arith.index_cast %add3A_938 : i32 to index
      %get3A_1059 = arith.constant 96 : index
      %get3A_1060 = tpu.vector_load %arg6[%get3A_1058, %get3A_1059] {strides = array<i32>} : memref<50x128xi32, #tpu.memory_space<vmem>>, vector<1x16xi32>,
      %get3A_1061 = vector.shape_cast %get3A_1060 : vector<1x16xi32> to vector<16xi32>
      %ne3A_1062 = arith.constant 0 : i32
      %ne3A_1063 = vector.broadcast %ne3A_1062 : i32 to vector<16xi32>
      %ne3A_1064 = arith.cmpi ne, %get3A_1061, %ne3A_1063 : vector<16xi32>
      %jit3A_1065 = arith.constant 1.000000e+00 : f32
      %jit3A_1066 = arith.constant 0.000000e+00 : f32
      %broadcast_in_dim3A_1067 = vector.broadcast %jit3A_1065 : f32 to vector<16xf32>
      %broadcast_in_dim3A_1068 = vector.broadcast %jit3A_1066 : f32 to vector<16xf32>
      %select_n3A_1069 = arith.select %ne3A_1064, %broadcast_in_dim3A_1067, %broadcast_in_dim3A_1068 : vector<16xi1>, vector<16xf32>
      %swap3A_1070 = arith.index_cast %add3A_938 : i32 to index
      %swap3A_1071 = arith.constant 96 : index
      %swap3A_1072 = tpu.vector_load %arg7[%swap3A_1070, %swap3A_1071] {strides = array<i32>} : memref<50x128xf32, #tpu.memory_space<vmem>>, vector<1x16xf32>,
      %swap3A_1073 = vector.shape_cast %swap3A_1072 : vector<1x16xf32> to vector<16xf32>
      %swap3A_1074 = vector.shape_cast %select_n3A_1069 : vector<16xf32> to vector<1x16xf32>
      tpu.vector_store %arg7[%swap3A_1070, %swap3A_1071], %swap3A_1074 {strides = array<i32>} : memref<50x128xf32, #tpu.memory_space<vmem>>, vector<1x16xf32>,
      %get3A_1075 = arith.index_cast %add3A_938 : i32 to index
      %get3A_1076 = arith.constant 112 : index
      %get3A_1077 = tpu.vector_load %arg6[%get3A_1075, %get3A_1076] {strides = array<i32>} : memref<50x128xi32, #tpu.memory_space<vmem>>, vector<1x16xi32>,
      %get3A_1078 = vector.shape_cast %get3A_1077 : vector<1x16xi32> to vector<16xi32>
      %ne3A_1079 = arith.constant 0 : i32
      %ne3A_1080 = vector.broadcast %ne3A_1079 : i32 to vector<16xi32>
      %ne3A_1081 = arith.cmpi ne, %get3A_1078, %ne3A_1080 : vector<16xi32>
      %jit3A_1082 = arith.constant 1.000000e+00 : f32
      %jit3A_1083 = arith.constant 0.000000e+00 : f32
      %broadcast_in_dim3A_1084 = vector.broadcast %jit3A_1082 : f32 to vector<16xf32>
      %broadcast_in_dim3A_1085 = vector.broadcast %jit3A_1083 : f32 to vector<16xf32>
      %select_n3A_1086 = arith.select %ne3A_1081, %broadcast_in_dim3A_1084, %broadcast_in_dim3A_1085 : vector<16xi1>, vector<16xf32>
      %swap3A_1087 = arith.index_cast %add3A_938 : i32 to index
      %swap3A_1088 = arith.constant 112 : index
      %swap3A_1089 = tpu.vector_load %arg7[%swap3A_1087, %swap3A_1088] {strides = array<i32>} : memref<50x128xf32, #tpu.memory_space<vmem>>, vector<1x16xf32>,
      %swap3A_1090 = vector.shape_cast %swap3A_1089 : vector<1x16xf32> to vector<16xf32>
      %swap3A_1091 = vector.shape_cast %select_n3A_1086 : vector<16xf32> to vector<1x16xf32>
      tpu.vector_store %arg7[%swap3A_1087, %swap3A_1088], %swap3A_1091 {strides = array<i32>} : memref<50x128xf32, #tpu.memory_space<vmem>>, vector<1x16xf32>,
      %dma_wait3A_1092 = arith.constant 4 : i32
      %dma_wait3A_1093 = arith.constant 4 : i32
      %dma_wait3A_1094 = arith.constant 0 : i32
      %dma_wait3A_1095 = arith.constant 0 : i32
      %dma_wait3A_1096 = tpu.memref_slice %arg8[%dma_wait3A_1092, %dma_wait3A_1094, %dma_wait3A_1095] : memref<5x128x128xf32, #tpu.memory_space<vmem>> -> memref<1x128x128xf32, #tpu.memory_space<vmem>>
      %dma_wait3A_1097 = tpu.memref_squeeze %dma_wait3A_1096 : memref<1x128x128xf32, #tpu.memory_space<vmem>> -> memref<128x128xf32, #tpu.memory_space<vmem>>
      %dma_wait3A_1098 = arith.constant 0 : i32
      %dma_wait3A_1099 = tpu.memref_slice %arg6[%add3A_938, %dma_wait3A_1098] : memref<50x128xi32, #tpu.memory_space<vmem>> -> memref<1x128xi32, #tpu.memory_space<vmem>>
      %dma_wait3A_1100 = tpu.memref_squeeze %dma_wait3A_1099 : memref<1x128xi32, #tpu.memory_space<vmem>> -> memref<128xi32, #tpu.memory_space<vmem>>
      %dma_wait3A_1101 = arith.constant 0 : i32
      %dma_wait3A_1102 = arith.constant 0 : i32
      %dma_wait3A_1103 = tpu.memref_slice %arg2[%dma_wait3A_1101, %dma_wait3A_1102] : memref<100000x128xf32, #tpu.memory_space<hbm>> -> memref<100000x128xf32, #tpu.memory_space<hbm>>
      %dma_wait3A_1104 = tpu.memref_slice %arg9[%dma_wait3A_1093] : memref<5x!tpu.dma_semaphore, #tpu.memory_space<semaphore_mem>> -> memref<1x!tpu.dma_semaphore, #tpu.memory_space<semaphore_mem>>
      %dma_wait3A_1105 = tpu.memref_squeeze %dma_wait3A_1104 : memref<1x!tpu.dma_semaphore, #tpu.memory_space<semaphore_mem>> -> memref<!tpu.dma_semaphore, #tpu.memory_space<semaphore_mem>>
      tpu.wait_indirect_dma semaphore(%dma_wait3A_1105 : memref<!tpu.dma_semaphore, #tpu.memory_space<semaphore_mem>>) src(%dma_wait3A_1103 : memref<100000x128xf32, #tpu.memory_space<hbm>>) dst(%dma_wait3A_1097 : memref<128x128xf32, #tpu.memory_space<vmem>>)
      %mul3A_1106 = arith.constant 128 : i32
      %mul3A_1107 = arith.muli %add3A_938, %mul3A_1106 : i32
      %add3A_1108 = arith.addi %mul3A_15, %mul3A_1107 : i32
      %dma_start3A_1109 = arith.constant 4 : i32
      %dma_start3A_1110 = arith.constant 4 : i32
      %dma_start3A_1111 = arith.constant 0 : i32
      %dma_start3A_1112 = arith.constant 0 : i32
      %dma_start3A_1113 = tpu.memref_slice %arg8[%dma_start3A_1109, %dma_start3A_1111, %dma_start3A_1112] : memref<5x128x128xf32, #tpu.memory_space<vmem>> -> memref<1x128x128xf32, #tpu.memory_space<vmem>>
      %dma_start3A_1114 = tpu.memref_squeeze %dma_start3A_1113 : memref<1x128x128xf32, #tpu.memory_space<vmem>> -> memref<128x128xf32, #tpu.memory_space<vmem>>
      %dma_start3A_1115 = arith.constant 0 : i32
      %dma_start3A_1116 = tpu.memref_slice %arg4[%add3A_1108, %dma_start3A_1115] : memref<204800x128xf32, #tpu.memory_space<hbm>> -> memref<128x128xf32, #tpu.memory_space<hbm>>
      %dma_start3A_1117 = tpu.memref_slice %arg10[%dma_start3A_1110] : memref<5x!tpu.dma_semaphore, #tpu.memory_space<semaphore_mem>> -> memref<1x!tpu.dma_semaphore, #tpu.memory_space<semaphore_mem>>
      %dma_start3A_1118 = tpu.memref_squeeze %dma_start3A_1117 : memref<1x!tpu.dma_semaphore, #tpu.memory_space<semaphore_mem>> -> memref<!tpu.dma_semaphore, #tpu.memory_space<semaphore_mem>>
      %dma_start3A_1119 = arith.constant 0 : i32
      %dma_start3A_1120 = tpu.memref_slice %arg4[%add3A_1108, %dma_start3A_1119] : memref<204800x128xf32, #tpu.memory_space<hbm>> -> memref<128x128xf32, #tpu.memory_space<hbm>>
      %dma_start3A_1121 = arith.constant 0 : i32
      %dma_start3A_1122 = arith.constant 0 : i32
      %dma_start3A_1123 = tpu.memref_slice %arg8[%dma_start3A_1109, %dma_start3A_1121, %dma_start3A_1122] : memref<5x128x128xf32, #tpu.memory_space<vmem>> -> memref<1x128x128xf32, #tpu.memory_space<vmem>>
      %dma_start3A_1124 = tpu.memref_squeeze %dma_start3A_1123 : memref<1x128x128xf32, #tpu.memory_space<vmem>> -> memref<128x128xf32, #tpu.memory_space<vmem>>
      tpu.enqueue_dma source(%dma_start3A_1124 : memref<128x128xf32, #tpu.memory_space<vmem>>) target(%dma_start3A_1120 : memref<128x128xf32, #tpu.memory_space<hbm>>) target_semaphore(%dma_start3A_1118 : memref<!tpu.dma_semaphore, #tpu.memory_space<semaphore_mem>>)
    }
    %scan3A_78 = arith.constant 10 : i32
    %dma_start3A_79 = arith.constant 0 : i32
    %dma_start3A_80 = arith.constant 0 : i32
    %dma_start3A_81 = tpu.memref_slice %arg5[%add3A, %dma_start3A_79, %dma_start3A_80] : memref<32x50x128xf32, #tpu.memory_space<hbm>> -> memref<1x50x128xf32, #tpu.memory_space<hbm>>
    %dma_start3A_82 = tpu.memref_squeeze %dma_start3A_81 : memref<1x50x128xf32, #tpu.memory_space<hbm>> -> memref<50x128xf32, #tpu.memory_space<hbm>>
    %dma_start3A_83 = arith.constant 0 : i32
    %dma_start3A_84 = arith.constant 0 : i32
    %dma_start3A_85 = tpu.memref_slice %arg5[%add3A, %dma_start3A_83, %dma_start3A_84] : memref<32x50x128xf32, #tpu.memory_space<hbm>> -> memref<1x50x128xf32, #tpu.memory_space<hbm>>
    %dma_start3A_86 = tpu.memref_squeeze %dma_start3A_85 : memref<1x50x128xf32, #tpu.memory_space<hbm>> -> memref<50x128xf32, #tpu.memory_space<hbm>>
    tpu.enqueue_dma source(%arg7 : memref<50x128xf32, #tpu.memory_space<vmem>>) target(%dma_start3A_86 : memref<50x128xf32, #tpu.memory_space<hbm>>) target_semaphore(%arg11 : memref<!tpu.dma_semaphore, #tpu.memory_space<semaphore_mem>>)
    %add3A_87 = arith.constant 5760 : i32
    %add3A_88 = arith.addi %mul3A_15, %add3A_87 : i32
    %dma_wait3A_89 = arith.constant 0 : i32
    %dma_wait3A_90 = arith.constant 0 : i32
    %dma_wait3A_91 = arith.constant 0 : i32
    %dma_wait3A_92 = arith.constant 0 : i32
    %dma_wait3A_93 = tpu.memref_slice %arg8[%dma_wait3A_89, %dma_wait3A_91, %dma_wait3A_92] : memref<5x128x128xf32, #tpu.memory_space<vmem>> -> memref<1x128x128xf32, #tpu.memory_space<vmem>>
    %dma_wait3A_94 = tpu.memref_squeeze %dma_wait3A_93 : memref<1x128x128xf32, #tpu.memory_space<vmem>> -> memref<128x128xf32, #tpu.memory_space<vmem>>
    %dma_wait3A_95 = arith.constant 0 : i32
    %dma_wait3A_96 = tpu.memref_slice %arg4[%add3A_88, %dma_wait3A_95] : memref<204800x128xf32, #tpu.memory_space<hbm>> -> memref<128x128xf32, #tpu.memory_space<hbm>>
    %dma_wait3A_97 = tpu.memref_slice %arg10[%dma_wait3A_90] : memref<5x!tpu.dma_semaphore, #tpu.memory_space<semaphore_mem>> -> memref<1x!tpu.dma_semaphore, #tpu.memory_space<semaphore_mem>>
    %dma_wait3A_98 = tpu.memref_squeeze %dma_wait3A_97 : memref<1x!tpu.dma_semaphore, #tpu.memory_space<semaphore_mem>> -> memref<!tpu.dma_semaphore, #tpu.memory_space<semaphore_mem>>
    %dma_wait3A_99 = arith.constant 0 : i32
    %dma_wait3A_100 = tpu.memref_slice %arg4[%add3A_88, %dma_wait3A_99] : memref<204800x128xf32, #tpu.memory_space<hbm>> -> memref<128x128xf32, #tpu.memory_space<hbm>>
    %dma_wait3A_101 = arith.constant 0 : i32
    %dma_wait3A_102 = arith.constant 0 : i32
    %dma_wait3A_103 = tpu.memref_slice %arg8[%dma_wait3A_89, %dma_wait3A_101, %dma_wait3A_102] : memref<5x128x128xf32, #tpu.memory_space<vmem>> -> memref<1x128x128xf32, #tpu.memory_space<vmem>>
    %dma_wait3A_104 = tpu.memref_squeeze %dma_wait3A_103 : memref<1x128x128xf32, #tpu.memory_space<vmem>> -> memref<128x128xf32, #tpu.memory_space<vmem>>
    tpu.wait_dma2 semaphore(%dma_wait3A_98 : memref<!tpu.dma_semaphore, #tpu.memory_space<semaphore_mem>>) src(%dma_wait3A_104 : memref<128x128xf32, #tpu.memory_space<vmem>>) dst(%dma_wait3A_100 : memref<128x128xf32, #tpu.memory_space<hbm>>)
    %add3A_105 = arith.constant 5888 : i32
    %add3A_106 = arith.addi %mul3A_15, %add3A_105 : i32
    %dma_wait3A_107 = arith.constant 1 : i32
    %dma_wait3A_108 = arith.constant 1 : i32
    %dma_wait3A_109 = arith.constant 0 : i32
    %dma_wait3A_110 = arith.constant 0 : i32
    %dma_wait3A_111 = tpu.memref_slice %arg8[%dma_wait3A_107, %dma_wait3A_109, %dma_wait3A_110] : memref<5x128x128xf32, #tpu.memory_space<vmem>> -> memref<1x128x128xf32, #tpu.memory_space<vmem>>
    %dma_wait3A_112 = tpu.memref_squeeze %dma_wait3A_111 : memref<1x128x128xf32, #tpu.memory_space<vmem>> -> memref<128x128xf32, #tpu.memory_space<vmem>>
    %dma_wait3A_113 = arith.constant 0 : i32
    %dma_wait3A_114 = tpu.memref_slice %arg4[%add3A_106, %dma_wait3A_113] : memref<204800x128xf32, #tpu.memory_space<hbm>> -> memref<128x128xf32, #tpu.memory_space<hbm>>
    %dma_wait3A_115 = tpu.memref_slice %arg10[%dma_wait3A_108] : memref<5x!tpu.dma_semaphore, #tpu.memory_space<semaphore_mem>> -> memref<1x!tpu.dma_semaphore, #tpu.memory_space<semaphore_mem>>
    %dma_wait3A_116 = tpu.memref_squeeze %dma_wait3A_115 : memref<1x!tpu.dma_semaphore, #tpu.memory_space<semaphore_mem>> -> memref<!tpu.dma_semaphore, #tpu.memory_space<semaphore_mem>>
    %dma_wait3A_117 = arith.constant 0 : i32
    %dma_wait3A_118 = tpu.memref_slice %arg4[%add3A_106, %dma_wait3A_117] : memref<204800x128xf32, #tpu.memory_space<hbm>> -> memref<128x128xf32, #tpu.memory_space<hbm>>
    %dma_wait3A_119 = arith.constant 0 : i32
    %dma_wait3A_120 = arith.constant 0 : i32
    %dma_wait3A_121 = tpu.memref_slice %arg8[%dma_wait3A_107, %dma_wait3A_119, %dma_wait3A_120] : memref<5x128x128xf32, #tpu.memory_space<vmem>> -> memref<1x128x128xf32, #tpu.memory_space<vmem>>
    %dma_wait3A_122 = tpu.memref_squeeze %dma_wait3A_121 : memref<1x128x128xf32, #tpu.memory_space<vmem>> -> memref<128x128xf32, #tpu.memory_space<vmem>>
    tpu.wait_dma2 semaphore(%dma_wait3A_116 : memref<!tpu.dma_semaphore, #tpu.memory_space<semaphore_mem>>) src(%dma_wait3A_122 : memref<128x128xf32, #tpu.memory_space<vmem>>) dst(%dma_wait3A_118 : memref<128x128xf32, #tpu.memory_space<hbm>>)
    %add3A_123 = arith.constant 6016 : i32
    %add3A_124 = arith.addi %mul3A_15, %add3A_123 : i32
    %dma_wait3A_125 = arith.constant 2 : i32
    %dma_wait3A_126 = arith.constant 2 : i32
    %dma_wait3A_127 = arith.constant 0 : i32
    %dma_wait3A_128 = arith.constant 0 : i32
    %dma_wait3A_129 = tpu.memref_slice %arg8[%dma_wait3A_125, %dma_wait3A_127, %dma_wait3A_128] : memref<5x128x128xf32, #tpu.memory_space<vmem>> -> memref<1x128x128xf32, #tpu.memory_space<vmem>>
    %dma_wait3A_130 = tpu.memref_squeeze %dma_wait3A_129 : memref<1x128x128xf32, #tpu.memory_space<vmem>> -> memref<128x128xf32, #tpu.memory_space<vmem>>
    %dma_wait3A_131 = arith.constant 0 : i32
    %dma_wait3A_132 = tpu.memref_slice %arg4[%add3A_124, %dma_wait3A_131] : memref<204800x128xf32, #tpu.memory_space<hbm>> -> memref<128x128xf32, #tpu.memory_space<hbm>>
    %dma_wait3A_133 = tpu.memref_slice %arg10[%dma_wait3A_126] : memref<5x!tpu.dma_semaphore, #tpu.memory_space<semaphore_mem>> -> memref<1x!tpu.dma_semaphore, #tpu.memory_space<semaphore_mem>>
    %dma_wait3A_134 = tpu.memref_squeeze %dma_wait3A_133 : memref<1x!tpu.dma_semaphore, #tpu.memory_space<semaphore_mem>> -> memref<!tpu.dma_semaphore, #tpu.memory_space<semaphore_mem>>
    %dma_wait3A_135 = arith.constant 0 : i32
    %dma_wait3A_136 = tpu.memref_slice %arg4[%add3A_124, %dma_wait3A_135] : memref<204800x128xf32, #tpu.memory_space<hbm>> -> memref<128x128xf32, #tpu.memory_space<hbm>>
    %dma_wait3A_137 = arith.constant 0 : i32
    %dma_wait3A_138 = arith.constant 0 : i32
    %dma_wait3A_139 = tpu.memref_slice %arg8[%dma_wait3A_125, %dma_wait3A_137, %dma_wait3A_138] : memref<5x128x128xf32, #tpu.memory_space<vmem>> -> memref<1x128x128xf32, #tpu.memory_space<vmem>>
    %dma_wait3A_140 = tpu.memref_squeeze %dma_wait3A_139 : memref<1x128x128xf32, #tpu.memory_space<vmem>> -> memref<128x128xf32, #tpu.memory_space<vmem>>
    tpu.wait_dma2 semaphore(%dma_wait3A_134 : memref<!tpu.dma_semaphore, #tpu.memory_space<semaphore_mem>>) src(%dma_wait3A_140 : memref<128x128xf32, #tpu.memory_space<vmem>>) dst(%dma_wait3A_136 : memref<128x128xf32, #tpu.memory_space<hbm>>)
    %add3A_141 = arith.constant 6144 : i32
    %add3A_142 = arith.addi %mul3A_15, %add3A_141 : i32
    %dma_wait3A_143 = arith.constant 3 : i32
    %dma_wait3A_144 = arith.constant 3 : i32
    %dma_wait3A_145 = arith.constant 0 : i32
    %dma_wait3A_146 = arith.constant 0 : i32
    %dma_wait3A_147 = tpu.memref_slice %arg8[%dma_wait3A_143, %dma_wait3A_145, %dma_wait3A_146] : memref<5x128x128xf32, #tpu.memory_space<vmem>> -> memref<1x128x128xf32, #tpu.memory_space<vmem>>
    %dma_wait3A_148 = tpu.memref_squeeze %dma_wait3A_147 : memref<1x128x128xf32, #tpu.memory_space<vmem>> -> memref<128x128xf32, #tpu.memory_space<vmem>>
    %dma_wait3A_149 = arith.constant 0 : i32
    %dma_wait3A_150 = tpu.memref_slice %arg4[%add3A_142, %dma_wait3A_149] : memref<204800x128xf32, #tpu.memory_space<hbm>> -> memref<128x128xf32, #tpu.memory_space<hbm>>
    %dma_wait3A_151 = tpu.memref_slice %arg10[%dma_wait3A_144] : memref<5x!tpu.dma_semaphore, #tpu.memory_space<semaphore_mem>> -> memref<1x!tpu.dma_semaphore, #tpu.memory_space<semaphore_mem>>
    %dma_wait3A_152 = tpu.memref_squeeze %dma_wait3A_151 : memref<1x!tpu.dma_semaphore, #tpu.memory_space<semaphore_mem>> -> memref<!tpu.dma_semaphore, #tpu.memory_space<semaphore_mem>>
    %dma_wait3A_153 = arith.constant 0 : i32
    %dma_wait3A_154 = tpu.memref_slice %arg4[%add3A_142, %dma_wait3A_153] : memref<204800x128xf32, #tpu.memory_space<hbm>> -> memref<128x128xf32, #tpu.memory_space<hbm>>
    %dma_wait3A_155 = arith.constant 0 : i32
    %dma_wait3A_156 = arith.constant 0 : i32
    %dma_wait3A_157 = tpu.memref_slice %arg8[%dma_wait3A_143, %dma_wait3A_155, %dma_wait3A_156] : memref<5x128x128xf32, #tpu.memory_space<vmem>> -> memref<1x128x128xf32, #tpu.memory_space<vmem>>
    %dma_wait3A_158 = tpu.memref_squeeze %dma_wait3A_157 : memref<1x128x128xf32, #tpu.memory_space<vmem>> -> memref<128x128xf32, #tpu.memory_space<vmem>>
    tpu.wait_dma2 semaphore(%dma_wait3A_152 : memref<!tpu.dma_semaphore, #tpu.memory_space<semaphore_mem>>) src(%dma_wait3A_158 : memref<128x128xf32, #tpu.memory_space<vmem>>) dst(%dma_wait3A_154 : memref<128x128xf32, #tpu.memory_space<hbm>>)
    %add3A_159 = arith.constant 6272 : i32
    %add3A_160 = arith.addi %mul3A_15, %add3A_159 : i32
    %dma_wait3A_161 = arith.constant 4 : i32
    %dma_wait3A_162 = arith.constant 4 : i32
    %dma_wait3A_163 = arith.constant 0 : i32
    %dma_wait3A_164 = arith.constant 0 : i32
    %dma_wait3A_165 = tpu.memref_slice %arg8[%dma_wait3A_161, %dma_wait3A_163, %dma_wait3A_164] : memref<5x128x128xf32, #tpu.memory_space<vmem>> -> memref<1x128x128xf32, #tpu.memory_space<vmem>>
    %dma_wait3A_166 = tpu.memref_squeeze %dma_wait3A_165 : memref<1x128x128xf32, #tpu.memory_space<vmem>> -> memref<128x128xf32, #tpu.memory_space<vmem>>
    %dma_wait3A_167 = arith.constant 0 : i32
    %dma_wait3A_168 = tpu.memref_slice %arg4[%add3A_160, %dma_wait3A_167] : memref<204800x128xf32, #tpu.memory_space<hbm>> -> memref<128x128xf32, #tpu.memory_space<hbm>>
    %dma_wait3A_169 = tpu.memref_slice %arg10[%dma_wait3A_162] : memref<5x!tpu.dma_semaphore, #tpu.memory_space<semaphore_mem>> -> memref<1x!tpu.dma_semaphore, #tpu.memory_space<semaphore_mem>>
    %dma_wait3A_170 = tpu.memref_squeeze %dma_wait3A_169 : memref<1x!tpu.dma_semaphore, #tpu.memory_space<semaphore_mem>> -> memref<!tpu.dma_semaphore, #tpu.memory_space<semaphore_mem>>
    %dma_wait3A_171 = arith.constant 0 : i32
    %dma_wait3A_172 = tpu.memref_slice %arg4[%add3A_160, %dma_wait3A_171] : memref<204800x128xf32, #tpu.memory_space<hbm>> -> memref<128x128xf32, #tpu.memory_space<hbm>>
    %dma_wait3A_173 = arith.constant 0 : i32
    %dma_wait3A_174 = arith.constant 0 : i32
    %dma_wait3A_175 = tpu.memref_slice %arg8[%dma_wait3A_161, %dma_wait3A_173, %dma_wait3A_174] : memref<5x128x128xf32, #tpu.memory_space<vmem>> -> memref<1x128x128xf32, #tpu.memory_space<vmem>>
    %dma_wait3A_176 = tpu.memref_squeeze %dma_wait3A_175 : memref<1x128x128xf32, #tpu.memory_space<vmem>> -> memref<128x128xf32, #tpu.memory_space<vmem>>
    tpu.wait_dma2 semaphore(%dma_wait3A_170 : memref<!tpu.dma_semaphore, #tpu.memory_space<semaphore_mem>>) src(%dma_wait3A_176 : memref<128x128xf32, #tpu.memory_space<vmem>>) dst(%dma_wait3A_172 : memref<128x128xf32, #tpu.memory_space<hbm>>)
    %dma_wait3A_177 = arith.constant 0 : i32
    %dma_wait3A_178 = arith.constant 0 : i32
    %dma_wait3A_179 = tpu.memref_slice %arg5[%add3A, %dma_wait3A_177, %dma_wait3A_178] : memref<32x50x128xf32, #tpu.memory_space<hbm>> -> memref<1x50x128xf32, #tpu.memory_space<hbm>>
    %dma_wait3A_180 = tpu.memref_squeeze %dma_wait3A_179 : memref<1x50x128xf32, #tpu.memory_space<hbm>> -> memref<50x128xf32, #tpu.memory_space<hbm>>
    %dma_wait3A_181 = arith.constant 0 : i32
    %dma_wait3A_182 = arith.constant 0 : i32
    %dma_wait3A_183 = tpu.memref_slice %arg5[%add3A, %dma_wait3A_181, %dma_wait3A_182] : memref<32x50x128xf32, #tpu.memory_space<hbm>> -> memref<1x50x128xf32, #tpu.memory_space<hbm>>
    %dma_wait3A_184 = tpu.memref_squeeze %dma_wait3A_183 : memref<1x50x128xf32, #tpu.memory_space<hbm>> -> memref<50x128xf32, #tpu.memory_space<hbm>>
    tpu.wait_dma2 semaphore(%arg11 : memref<!tpu.dma_semaphore, #tpu.memory_space<semaphore_mem>>) src(%arg7 : memref<50x128xf32, #tpu.memory_space<vmem>>) dst(%dma_wait3A_184 : memref<50x128xf32, #tpu.memory_space<hbm>>)
    return
  }
}

</mosaic_0001>

<sc_bundles>
// kernel: kernel.3.cloned.1.call-start
scs
__scs_entry_jumppad:
0x0: {  	(pc) =	sbr.rel $0x88, $3  }
0x1: {  	(tag) =	ssettag $0x0;
	lr =	simm.s32 $0x1  }
0x2: {  	[smem:$0x3F9F] =	sst lr;
	_ =	strace $0xD0000000  }
0x3: {  	_ = 	snop  }
0x4: {  	_ = 	snop  }
0x5: {  	_ = 	snop  }
0x6: {  	_ = 	snop  }
0x7: {  	_ = 	snop  }
__scs_overlays_trampoline_lowered:
0x8: {  	[smem:$0x3FAE] =	sst s0  }
0x9: {  	[smem:$0x3FAF] =	sst s1  }
0xa: {  	[smem:$0x3FB0] =	sst s2  }
0xb: {  	[smem:$0x3FB1] =	sst s3  }
0xc: {  	[smem:$0x3FB2] =	sst s4  }
0xd: {  	[smem:$0x3FB3] =	sst s5  }
0xe: {  	[smem:$0x3FB4] =	sst s6  }
0xf: {  	[smem:$0x3FB5] =	sst s7  }
0x10: {  	[smem:$0x3FB6] =	sst s8  }
0x11: {  	[smem:$0x3FB7] =	sst s9;
	s0 =	simm.s32 @!p0 $0x0  }
0x12: {  	s1 =	sld [smem:$0x3F9D];
	s0 =	simm.s32 @p0 $0x1  }
0x13: {  	[smem:$0x3FB8] =	sst s0;
	s0 =	simm.s32 @!p1 $0x0  }
0x14: {  	s2 =	sld [smem:$0x3F9C];
	s0 =	simm.s32 @p1 $0x1  }
0x15: {  	[smem:$0x3FB9] =	sst s0;
	s0 =	simm.s32 @!p2 $0x0  }
0x16: {  	s3 =	sld [smem:$0x3FDB];
	s0 =	simm.s32 @p2 $0x1  }
0x17: {  	s4 =	simm.s32 $0x1BF5;
	[smem:$0x3FBB] =	sst s0  }
0x18: {  	s0 =	sld [smem:$0x3F9E];
	_ =	swait.ge [sflag:s4], $0x0  }
0x19: {  	s7 =	sld [smem:$0x3F9F]  }
0x1a: {  	s8 =	sadd.s32 $0xFFFFE003, lr  }
0x1b: {  	s9 =	sadd.s32 $0xFFFFFEF7, lr;
	s5 =	simm.s32 $0xFFFFFFFF;
	p2 =	slt.u32 s8, $0xFFFFF086  }
0x1c: {  	p1 =	slt.u32 s9, $0xF7A;
	s5 =	simm.s32 @!p2 $0x0  }
0x1d: {  	s5 =	simm.s32 @p1 $0x1;
	p0 =	seq.s32 s7, s2  }
0x1e: {  	s7 =	smul.u32 @!p0 $0xF7A, s2;
	p2 =	seq.s32 @!p0 s5, $0x0  }
0x1f: {  	s9 =	smul.u32 $0xF7A, s1;
	s8 =	simm.s32 @!p0 $0x1BF5;
	p2 =	por !p2, p0  }
0x20: {  	[sflag:s8] =	ssyncset.s32 @!p0 $0xFFFFF086;
	s6 =	sadd.s32 @!p0 s3, s7;
	s7 =	simm.s32 @!p0 $0x108  }
0x21: {  	s3 =	sadd.s32 s3, s9;
	s6 =	sadd.s32 @!p0 $0x88, s6;
	s7 =	simm.s32 @p2 $0x1082  }
0x22: {  	[simem:s7], [sflag:s8] =	dma.local @!p0 [hbm:s6], $0xF7A  }
0x23: {  	s9 =	sor.u32 $0xD0000000, s2;
	s6 =	simm.s32 $0x108;
	_ =	swait.ge @!p0 [sflag:s8], $0x0  }
0x24: {  	s3 =	sadd.s32 $0x88, s3;
	s6 =	simm.s32 @!p1 $0x1082;
	[sflag:s4] =	ssyncset.s32 $0xFFFFF086  }
0x25: {  	[simem:s6], [sflag:s4] =	dma.local [hbm:s3], $0xF7A  }
0x26: {  	[smem:$0x3F9F] =	sst s1;
	(tag) =	ssettag s2;
	_ =	strace s9  }
0x27: {  	s1 =	sld [smem:$0x3FAF]  }
0x28: {  	s2 =	sld [smem:$0x3FB0]  }
0x29: {  	s4 =	sld [smem:$0x3FB2]  }
0x2a: {  	p0 =	seq.s32 s5, $0x0;
	s5 =	sld [smem:$0x3FB3]  }
0x2b: {  	s6 =	sld [smem:$0x3FB4]  }
0x2c: {  	s7 =	sld [smem:$0x3FB5]  }
0x2d: {  	s3 =	simm.s32 $0x108;
	s8 =	sld [smem:$0x3FB6]  }
0x2e: {  	s3 =	simm.s32 @!p0 $0x1082;
	s9 =	sld [smem:$0x3FB7]  }
0x2f: {  	lr =	sadd.s32 s0, s3;
	s0 =	sld [smem:$0x3FAE]  }
0x30: {  	s3 =	sld [smem:$0x3FB1]  }
0x31: {  	[smem:$0x3FBA] =	sst s10  }
0x32: {  	s10 =	sld [smem:$0x3FB8];
	_ =	sdelay $0x3  }
0x33: {  	p0 =	seq.s32 s10, $0x1;
	s10 =	sld [smem:$0x3FBA];
	_ =	sdelay $0x3  }
0x34: {  	[smem:$0x3FBA] =	sst s10  }
0x35: {  	s10 =	sld [smem:$0x3FB9];
	_ =	sdelay $0x3  }
0x36: {  	p1 =	seq.s32 s10, $0x1;
	s10 =	sld [smem:$0x3FBA];
	_ =	sdelay $0x3  }
0x37: {  	[smem:$0x3FBA] =	sst s10  }
0x38: {  	s10 =	sld [smem:$0x3FBB]  }
0x39: {  	_ = 	snop;
	(pc) =	sbr.ind lr, $3  }
0x3a: {  	_ = 	snop  }
0x3b: {  	_ = 	snop  }
0x3c: {  	p2 =	seq.s32 s10, $0x1;
	s10 =	sld [smem:$0x3FBA]  }
0x3d: {  	_ =	shalt  }
0x3e: {  	_ =	shalt  }
0x3f: {  	_ =	shalt  }
0x40: {  	_ =	shalt  }
0x41: {  	_ =	shalt  }
0x42: {  	_ =	shalt  }
0x43: {  	_ =	shalt  }
0x44: {  	_ =	shalt  }
0x45: {  	_ =	shalt  }
0x46: {  	_ =	shalt  }
0x47: {  	_ =	shalt  }
0x48: {  	_ =	shalt  }
0x49: {  	_ =	shalt  }
0x4a: {  	_ =	shalt  }
0x4b: {  	_ =	shalt  }
0x4c: {  	_ =	shalt  }
0x4d: {  	_ =	shalt  }
0x4e: {  	_ =	shalt  }
0x4f: {  	_ =	shalt  }
0x50: {  	_ =	shalt  }
0x51: {  	_ =	shalt  }
0x52: {  	_ =	shalt  }
0x53: {  	_ =	shalt  }
0x54: {  	_ =	shalt  }
0x55: {  	_ =	shalt  }
0x56: {  	_ =	shalt  }
0x57: {  	_ =	shalt  }
0x58: {  	_ =	shalt  }
0x59: {  	_ =	shalt  }
0x5a: {  	_ =	shalt  }
0x5b: {  	_ =	shalt  }
0x5c: {  	_ =	shalt  }
0x5d: {  	_ =	shalt  }
0x5e: {  	_ =	shalt  }
0x5f: {  	_ =	shalt  }
0x60: {  	_ =	shalt  }
0x61: {  	_ =	shalt  }
0x62: {  	_ =	shalt  }
0x63: {  	_ =	shalt  }
0x64: {  	_ =	shalt  }
0x65: {  	_ =	shalt  }
0x66: {  	_ =	shalt  }
0x67: {  	_ =	shalt  }
0x68: {  	_ =	shalt  }
0x69: {  	_ =	shalt  }
0x6a: {  	_ =	shalt  }
0x6b: {  	_ =	shalt  }
0x6c: {  	_ =	shalt  }
0x6d: {  	_ =	shalt  }
0x6e: {  	_ =	shalt  }
0x6f: {  	_ =	shalt  }
0x70: {  	_ =	shalt  }
0x71: {  	_ =	shalt  }
0x72: {  	_ =	shalt  }
0x73: {  	_ =	shalt  }
0x74: {  	_ =	shalt  }
0x75: {  	_ =	shalt  }
0x76: {  	_ =	shalt  }
0x77: {  	_ =	shalt  }
0x78: {  	_ =	shalt  }
0x79: {  	_ =	shalt  }
0x7a: {  	_ =	shalt  }
0x7b: {  	_ =	shalt  }
0x7c: {  	_ =	shalt  }
0x7d: {  	_ =	shalt  }
0x7e: {  	_ =	shalt  }
0x7f: {  	_ =	shalt  }
0x80: {  	_ =	shalt  }
0x81: {  	_ =	shalt  }
0x82: {  	_ =	shalt  }
0x83: {  	_ =	shalt  }
0x84: {  	_ =	shalt  }
0x85: {  	_ =	shalt  }
0x86: {  	_ =	shalt  }
0x87: {  	_ =	shalt  }
.Lfunc_end0:
.L_simem_size_0:
called_computation_lowered:
.L_overlay_start_0:
0x88: {  	s2 =	sld [smem:$0x3FD9]  }
0x89: {  	s3 =	sld [smem:$0x3FFE];
	_ =	sdelay $0x1  }
0x8a: {  	s1 =	srdreg.scid  }
0x8b: {  	s0 =	sand.u32 $0x1, s1  }
0x8c: {  	s14 =	sshll.u32 s0, $0xA;
	s2 =	sadd.s32 s3, s2  }
0x8d: {  	s2 =	sadd.s32 s2, s14  }
0x8e: {  	[smem:$0x3FC6] =	sst s2  }
0x8f: {  	_ = 	snop  }
0x90: {  	s2 =	sld [smem:$0x3FD0];
	_ =	sdelay $0x2  }
0x91: {  	s4 =	simm.s32 $0xA;
	s5 =	simm.s32 $0x10;
	s15 =	sld [smem:$0x3FC8]  }
0x92: {  	[smem:s5], [sflag:s4] =	dma.local [hbm:s2], $0x1  }
0x93: {  	_ =	swait.eq [sflag:s4], $0x1  }
0x94: {  	[sflag:s4] =	ssyncset.done $0x0  }
0x95: {  	s16 =	sld [smem:$0x10];
	[sflag:s4] =	ssyncadd.s32 $0xFFFFFFFF  }
0x96: {  	s17 =	sld [smem:$0x11];
	(tm) =	ssettm $0x1  }
0x97: {  	s18 =	sld [smem:$0x3FFB];
	_ =	sdelay $0x3  }
0x98: {  	_ =	strace s18  }
0x99: {  	s5 =	sld [smem:$0x3FFC];
	_ =	sdelay $0x3  }
0x9a: {  	_ =	strace s5  }
0x9b: {  	s5 =	sld [smem:$0x3FFD];
	_ =	sdelay $0x3  }
0x9c: {  	_ =	strace s5  }
0x9d: {  	_ =	strace $0x8FFFFFFF  }
0x9e: {  	s19 =	sld [smem:$0x3FDB];
	_ =	sdelay $0x1  }
0x9f: {  	s6 =	simm.s32 $_scs_section_size  }
0xa0: {  	s7 =	simm.s32 $_size__tile_overlayer_lowered;
	s8 =	simm.s32 $_tile_overlayer_lowered  }
0xa1: {  	s22 =	simm.s32 $0x1BFF;
	s21 =	sshll.u32 s8, $0x1;
	s5 =	sadd.s32 s6, s19  }
0xa2: {  	s9 =	simm.s32 $0x0;
	s20 =	sshll.u32 s7, $0x1;
	s7 =	sadd.s32 s21, s5  }
0xa3: {  	[timem:s9], [sflag:s22] =	dma.local [hbm:s7], s20  }
0xa4: {  	_ =	swait.ge [sflag:s22], s20  }
0xa5: {  	s6 =	ssub.s32 $0x0, s20;
	[sflag:s22] =	ssyncset.done $0x0  }
0xa6: {  	[sflag:s22] =	ssyncadd.s32 s6;
	_ =	sdelay $0x1  }
0xa7: {  	s23 =	simm.s32 $0x1B8B  }
0xa8: {  	_ =	swait.ge [sflag:s23], $0x1  }
0xa9: {  	[sflag:s23] =	ssyncset.done $0x0  }
0xaa: {  	s25 =	simm.s32 $0x1B8E;
	s24 =	sld [smem:$0x3FFE];
	[sflag:s23] =	ssyncadd.s32 $0xFFFFFFFF  }
0xab: {  	s26 =	simm.s32 $execute0_lowered;
	[smem:$0x3FD2] =	sst s25  }
0xac: {  	s7 =	sshll.u32 s26, $0x1;
	_ =	strace $0x80000046;
	[dreg:$0x1] =	wrdreg $0xFFFFFFFF  }
0xad: {  	s28 =	simm.s32 $_size_execute0_lowered;
	s5 =	sadd.s32 s5, s7;
	[dreg:$0x0] =	wrdreg $0x0  }
0xae: {  	s7 =	sshll.u32 s28, $0x1;
	[dreg:$0x2] =	wrdreg s5  }
0xaf: {  	[dreg:$0x3] =	wrdreg s7  }
0xb0: {  	[dreg:$0x4] =	wrdreg $0xC0  }
0xb1: {  	_ =	task [dreg:s9], $0x5FFFF  }
0xb2: {  	[dreg:$0x1] =	wrdreg $0xFFFFFFFF  }
0xb3: {  	[dreg:$0x0] =	wrdreg $0x60  }
0xb4: {  	[dreg:$0x2] =	wrdreg s15  }
0xb5: {  	[dreg:$0x3] =	wrdreg s17  }
0xb6: {  	[dreg:$0x4] =	wrdreg s16  }
0xb7: {  	[dreg:$0x5] =	wrdreg s24  }
0xb8: {  	[dreg:$0x6] =	wrdreg $0x9  }
0xb9: {  	_ =	task.clear_ibuf [dreg:s9], $0x7FFFF;
	_ =	strace $0x90000046  }
0xba: {  	s29 =	simm.s32 $0x9;
	_ =	strace $0x80000048  }
0xbb: {  	_ =	swait.ge [sflag:s29], $0x1  }
0xbc: {  	[sflag:s29] =	ssyncadd.s32 $0xFFFFFFFF  }
0xbd: {  	_ =	strace $0x90000048  }
0xbe: {  	_ =	sfence  }
0xbf: {  	s30 =	sld [smem:$0x0];
	_ =	sdelay $0x2  }
0xc0: {  	s31 =	sshll.u32 s1, $0xD;
	s1 =	sshrl.u32 s1, $0x2  }
0xc1: {  	s3 =	sand.u32 $0x4000, s31;
	s1 =	sadd.s32 s1, s30  }
0xc2: {  	s0 =	sor.u32 s3, s0;
	s1 =	sshll.u32 s1, $0x11  }
0xc3: {  	s0 =	sor.u32 s1, s0  }
0xc4: {  	s0 =	sadd.s32 $0x8F2B, s0  }
0xc5: {  	[sflag:s0] =	ssyncadd.remote.s32 $0x1  }
0xc6: {  	_ =	sfence.sel $0xFFFF  }
0xc7: {  	[dreg:$0x0] =	wrdreg $0xFFFFFFFF;
	(pc) =	sbr.abs _section_cstart, $3  }
0xc8: {  	[dreg:$0x1] =	wrdreg $0xFFFFFFFF  }
0xc9: {  	_ =	task.clear_ibuf [dreg:s9], $0x2FFFF;
	_ =	strace $0x9FFFFFFF  }
0xca: {  	(tm) =	ssettm $0x7FFFFFFF  }
0xcb: {  	_ =	shalt  }
tec
execute0_lowered:
.L_overlay_start_1:
0x0: {  	(tag) =	ssettag $0x1  }
0x1: {  	s1 =	rddreg [dreg:$0x0]  }
0x2: {  	s0 =	rddreg [dreg:$0x1]  }
0x3: {  	s2 =	rddreg [dreg:$0x2];
	s3 =	srdreg.scid  }
0x4: {  	s8 =	stileid.u32;
	s4 =	rddreg [dreg:$0x3]  }
0x5: {  	s11 =	simm.s32 $0x80;
	s12 =	simm.s32 $0x3800;
	s13 =	simm.s32 $0x7800  }
0x6: {  	s15 =	simm.s32 $0xB800;
	s16 =	simm.s32 $0xB;
	s17 =	simm.s32 $0xF800  }
0x7: {  	s18 =	simm.s32 $0x1;
	s19 =	simm.s32 $0x13800;
	s20 =	simm.s32 $0x2  }
0x8: {  	s21 =	simm.s32 $0x3;
	s22 =	simm.s32 $0x4;
	s28 =	simm.s32 $0x8  }
0x9: {  	s29 =	simm.s32 $0x9;
	s30 =	simm.s32 $0xA;
	s31 =	simm.s32 $0x0  }
0xa: {  	s5 =	sand.u32 $0x1, s3;
	s6 =	sshll.u32 s8, $0x1;
	s8 =	smul.u32 $0x32000, s8  }
0xb: {  	s3 =	simm.s32 $0x0;
	s6 =	sor.u32 s5, s6;
	s10 =	smul.u32 $0x19000, s5  }
0xc: {  	[smem:$0x7FF] =	sst s3;
	s7 =	ssub.s32 $0x2, s5;
	s6 =	smul.u32 $0x1C00, s6  }
0xd: {  	_ =	strace $0x80000047;
	s23 =	sshrl.u32 s7, $0x1;
	s24 =	sadd.s32 s8, s2  }
0xe: {  	s7 =	ssub.s32 s7, s23;
	s23 =	simm.s32 $0x5;
	s6 =	sshrl.u32 s6, $0x3  }
0xf: {  	s7 =	smax.u32 s7, $0x1;
	s9 =	sadd.s32 s6, s4;
	s4 =	sadd.s32 s0, s6  }
0x10: {  	s0 =	sadd.s32 s10, s24;
	s25 =	sadd.s32 $0x80, s4;
	s26 =	sadd.s32 $0x800, s9  }
0x11: {  	s2 =	sadd.s32 $0x1000, s0;
	s9 =	simm.s32 $0xC;
	[dreg:$0x5] =	wrdreg s25  }
0x12: {  	v0 =	vimm.f32 $1.000000000e+00;
	[dreg:$0x6] =	wrdreg s26;
	s25 =	simm.s32 $0x6;
	s26 =	simm.s32 $0x7  }
.LBB2_1:
0x13: {  	[tilespmem:s3], [sflag:$0xC] =	stream.linear.gather [hbm4b:s4+s3], $0x400, $0x38;
	[tilespmem:$0x17800] =	vst v63  }
0x14: {  	_ =	swait.ge [sflag:s9], $0x400  }
0x15: {  	[sflag:s9] =	ssyncset.done $0x0  }
0x16: {  	s5 =	simm.s32 $0x400;
	s0 =	rddreg [dreg:$0x5];
	[sflag:s9] =	ssyncadd.s32 $0xFFFFFC00  }
0x17: {  	[tilespmem:s5], [sflag:$0xB] =	stream.linear.gather [hbm4b:s0+s3], $0x1500, $0x38;
	[tilespmem:$0x17800] =	vst v63  }
0x18: {  	_ = 	snop  }
0x19: {  	[tilespmem:s12], [sflag:$0x1] =	stream.indirect.gather [hbm4b:s1+s11], $0x80, s3, s11, $0xb8;
	[tilespmem:$0x17800] =	vst v63  }
0x1a: {  	_ = 	snop  }
0x1b: {  	[tilespmem:s13], [sflag:$0x2] =	stream.indirect.gather [hbm4b:s1+s11], $0x80, s11, s11, $0xb8;
	[tilespmem:$0x17800] =	vst v63  }
0x1c: {  	s24 =	simm.s32 $0x100  }
0x1d: {  	[tilespmem:s15], [sflag:$0x3] =	stream.indirect.gather [hbm4b:s1+s11], $0x80, s24, s11, $0xb8;
	[tilespmem:$0x17800] =	vst v63  }
0x1e: {  	_ =	swait.ge [sflag:s16], $0x1500  }
0x1f: {  	[sflag:s16] =	ssyncset.done $0x0  }
0x20: {  	s8 =	smov.u32 s2;
	s0 =	simm.s32 $0x0;
	[sflag:s16] =	ssyncadd.s32 $0xFFFFEB00  }
.LBB2_2:
0x21: {  	p0 =	seq.s32 s0, $0x0  }
0x22: {  	s14 =	simm.s32 @!p0 $0x9  }
0x23: {  	_ =	swait.ge @!p0 [sflag:s14], $0x4000  }
0x24: {  	s10 =	sshra.s32 s0, $0x2;
	[sflag:s14] =	ssyncset.done @!p0 $0x0  }
0x25: {  	s5 =	sadd.s32 $0x180, s10;
	[sflag:s14] =	ssyncadd.s32 @!p0 $0xFFFFC000  }
0x26: {  	[tilespmem:s17], [sflag:$0x4] =	stream.indirect.gather [hbm4b:s1+s11], $0x80, s5, s11, $0xb8;
	[tilespmem:$0x17800] =	vst v63  }
0x27: {  	v1 =	vld [tilespmem:s10+$0x0]  }
0x28: {  	v2 =	vld [tilespmem:s10+$0x10]  }
0x29: {  	v3 =	vld [tilespmem:s10+$0x20]  }
0x2a: {  	v4 =	vld [tilespmem:s10+$0x30]  }
0x2b: {  	v5 =	vld [tilespmem:s10+$0x40]  }
0x2c: {  	vm0 =	veq.s32 v1, $0x0;
	v1 =	vld [tilespmem:s10+$0x50]  }
0x2d: {  	vm13 =	veq.s32 v2, $0x0;
	v2 =	vld [tilespmem:s10+$0x60];
	v6 =	vsel vm0, $0x0, v0  }
0x2e: {  	vm14 =	veq.s32 v3, $0x0;
	v3 =	vld [tilespmem:s10+$0x70];
	v37 =	vsel vm13, $0x0, v0;
	[tilespmem:s10+$0x1C00] =	vst v6  }
0x2f: {  	vm15 =	veq.s32 v4, $0x0;
	v38 =	vsel vm14, $0x0, v0;
	[tilespmem:s10+$0x1C10] =	vst v37  }
0x30: {  	vm4 =	veq.s32 v5, $0x0;
	v4 =	vsel vm15, $0x0, v0;
	[tilespmem:s10+$0x1C20] =	vst v38  }
0x31: {  	v39 =	vsel vm4, $0x0, v0;
	[tilespmem:s10+$0x1C30] =	vst v4;
	vm5 =	veq.s32 v1, $0x0  }
0x32: {  	[tilespmem:s10+$0x1C40] =	vst v39;
	vm6 =	veq.s32 v2, $0x0;
	v1 =	vsel vm5, $0x0, v0  }
0x33: {  	vm7 =	veq.s32 v3, $0x0;
	[tilespmem:s10+$0x1C50] =	vst v1;
	v1 =	vsel vm6, $0x0, v0  }
0x34: {  	[tilespmem:s10+$0x1C60] =	vst v1;
	v1 =	vsel vm7, $0x0, v0  }
0x35: {  	[tilespmem:s10+$0x1C70] =	vst v1  }
0x36: {  	_ =	swait.ge [sflag:s18], $0x4000  }
0x37: {  	[sflag:s18] =	ssyncset.done $0x0  }
0x38: {  	s6 =	sadd.s32 $0xFFFFF000, s8;
	s14 =	simm.s32 @!p0 $0xA;
	[sflag:s18] =	ssyncadd.s32 $0xFFFFC000  }
0x39: {  	[hbm4b:s6+s3] =	stream.linear.scatter [tilespmem:s12], [sflag:$0x6], $0x4000, $0x38;
	[tilespmem:$0x17800] =	vst v63  }
0x3a: {  	_ =	swait.ge @!p0 [sflag:s14], $0x4000  }
0x3b: {  	[sflag:s14] =	ssyncset.done @!p0 $0x0  }
0x3c: {  	s24 =	sadd.s32 $0x200, s10;
	[sflag:s14] =	ssyncadd.s32 @!p0 $0xFFFFC000  }
0x3d: {  	[tilespmem:s19], [sflag:$0x5] =	stream.indirect.gather [hbm4b:s1+s11], $0x80, s24, s11, $0xb8;
	[tilespmem:$0x17800] =	vst v63  }
0x3e: {  	v1 =	vld [tilespmem:s10+$0x80]  }
0x3f: {  	v2 =	vld [tilespmem:s10+$0x90]  }
0x40: {  	v3 =	vld [tilespmem:s10+$0xA0]  }
0x41: {  	v40 =	vld [tilespmem:s10+$0xB0]  }
0x42: {  	v41 =	vld [tilespmem:s10+$0xC0]  }
0x43: {  	vm8 =	veq.s32 v1, $0x0;
	v1 =	vld [tilespmem:s10+$0xD0]  }
0x44: {  	vm9 =	veq.s32 v2, $0x0;
	v2 =	vld [tilespmem:s10+$0xE0];
	v42 =	vsel vm8, $0x0, v0  }
0x45: {  	vm10 =	veq.s32 v3, $0x0;
	v3 =	vld [tilespmem:s10+$0xF0];
	v43 =	vsel vm9, $0x0, v0;
	[tilespmem:s10+$0x1C80] =	vst v42  }
0x46: {  	vm11 =	veq.s32 v40, $0x0;
	v44 =	vsel vm10, $0x0, v0;
	[tilespmem:s10+$0x1C90] =	vst v43  }
0x47: {  	vm12 =	veq.s32 v41, $0x0;
	v4 =	vsel vm11, $0x0, v0;
	[tilespmem:s10+$0x1CA0] =	vst v44  }
0x48: {  	v45 =	vsel vm12, $0x0, v0;
	[tilespmem:s10+$0x1CB0] =	vst v4;
	vm13 =	veq.s32 v1, $0x0  }
0x49: {  	[tilespmem:s10+$0x1CC0] =	vst v45;
	vm14 =	veq.s32 v2, $0x0;
	v1 =	vsel vm13, $0x0, v0  }
0x4a: {  	vm15 =	veq.s32 v3, $0x0;
	[tilespmem:s10+$0x1CD0] =	vst v1;
	v1 =	vsel vm14, $0x0, v0  }
0x4b: {  	[tilespmem:s10+$0x1CE0] =	vst v1;
	v1 =	vsel vm15, $0x0, v0  }
0x4c: {  	[tilespmem:s10+$0x1CF0] =	vst v1  }
0x4d: {  	_ =	swait.ge [sflag:s20], $0x4000  }
0x4e: {  	p0 =	seq.s32 s0, $0x5A00;
	[sflag:s20] =	ssyncset.done $0x0  }
0x4f: {  	s5 =	sadd.s32 $0xFFFFF800, s8;
	s14 =	simm.s32 @!p0 $0x6;
	[sflag:s20] =	ssyncadd.s32 $0xFFFFC000  }
0x50: {  	[hbm4b:s5+s3] =	stream.linear.scatter [tilespmem:s13], [sflag:$0x7], $0x4000, $0x38;
	[tilespmem:$0x17800] =	vst v63  }
0x51: {  	_ =	swait.ge @!p0 [sflag:s14], $0x4000  }
0x52: {  	[sflag:s14] =	ssyncset.done @!p0 $0x0  }
0x53: {  	[sflag:s14] =	ssyncadd.s32 @!p0 $0xFFFFC000;
	s14 =	sshra.s32 @!p0 s0, $0x2  }
0x54: {  	s24 =	simm.s32 @!p0 $0x80;
	s6 =	simm.s32 @!p0 $0x3800;
	s5 =	sadd.s32 @!p0 $0x280, s14  }
0x55: {  	[tilespmem:s6], [sflag:$0x1] =	stream.indirect.gather @!p0 [hbm4b:s1+s24], $0x80, s5, s24, $0xb8;
	[tilespmem:$0x17800] =	vst v63  }
0x56: {  	v1 =	vld [tilespmem:s10+$0x100]  }
0x57: {  	v2 =	vld [tilespmem:s10+$0x110]  }
0x58: {  	v3 =	vld [tilespmem:s10+$0x120]  }
0x59: {  	v46 =	vld [tilespmem:s10+$0x130]  }
0x5a: {  	v47 =	vld [tilespmem:s10+$0x140]  }
0x5b: {  	vm4 =	veq.s32 v1, $0x0;
	v1 =	vld [tilespmem:s10+$0x150]  }
0x5c: {  	vm5 =	veq.s32 v2, $0x0;
	v2 =	vld [tilespmem:s10+$0x160];
	v48 =	vsel vm4, $0x0, v0  }
0x5d: {  	vm6 =	veq.s32 v3, $0x0;
	v3 =	vld [tilespmem:s10+$0x170];
	v49 =	vsel vm5, $0x0, v0;
	[tilespmem:s10+$0x1D00] =	vst v48  }
0x5e: {  	vm7 =	veq.s32 v46, $0x0;
	v50 =	vsel vm6, $0x0, v0;
	[tilespmem:s10+$0x1D10] =	vst v49  }
0x5f: {  	vm8 =	veq.s32 v47, $0x0;
	v4 =	vsel vm7, $0x0, v0;
	[tilespmem:s10+$0x1D20] =	vst v50  }
0x60: {  	v51 =	vsel vm8, $0x0, v0;
	[tilespmem:s10+$0x1D30] =	vst v4;
	vm9 =	veq.s32 v1, $0x0  }
0x61: {  	[tilespmem:s10+$0x1D40] =	vst v51;
	vm10 =	veq.s32 v2, $0x0;
	v1 =	vsel vm9, $0x0, v0  }
0x62: {  	vm11 =	veq.s32 v3, $0x0;
	[tilespmem:s10+$0x1D50] =	vst v1;
	v1 =	vsel vm10, $0x0, v0  }
0x63: {  	[tilespmem:s10+$0x1D60] =	vst v1;
	v1 =	vsel vm11, $0x0, v0  }
0x64: {  	[tilespmem:s10+$0x1D70] =	vst v1  }
0x65: {  	_ =	swait.ge [sflag:s21], $0x4000  }
0x66: {  	[sflag:s21] =	ssyncset.done $0x0  }
0x67: {  	s5 =	simm.s32 @!p0 $0x7;
	[sflag:s21] =	ssyncadd.s32 $0xFFFFC000  }
0x68: {  	[hbm4b:s8+s3] =	stream.linear.scatter [tilespmem:s15], [sflag:$0x8], $0x4000, $0x38;
	[tilespmem:$0x17800] =	vst v63  }
0x69: {  	_ =	swait.ge @!p0 [sflag:s5], $0x4000  }
0x6a: {  	[sflag:s5] =	ssyncset.done @!p0 $0x0  }
0x6b: {  	s6 =	simm.s32 @!p0 $0x7800;
	[sflag:s5] =	ssyncadd.s32 @!p0 $0xFFFFC000;
	s5 =	sadd.s32 @!p0 $0x300, s14  }
0x6c: {  	[tilespmem:s6], [sflag:$0x2] =	stream.indirect.gather @!p0 [hbm4b:s1+s24], $0x80, s5, s24, $0xb8;
	[tilespmem:$0x17800] =	vst v63  }
0x6d: {  	v1 =	vld [tilespmem:s10+$0x180]  }
0x6e: {  	v2 =	vld [tilespmem:s10+$0x190]  }
0x6f: {  	v3 =	vld [tilespmem:s10+$0x1A0]  }
0x70: {  	v52 =	vld [tilespmem:s10+$0x1B0]  }
0x71: {  	v53 =	vld [tilespmem:s10+$0x1C0]  }
0x72: {  	vm12 =	veq.s32 v1, $0x0;
	v1 =	vld [tilespmem:s10+$0x1D0]  }
0x73: {  	vm13 =	veq.s32 v2, $0x0;
	v2 =	vld [tilespmem:s10+$0x1E0];
	v54 =	vsel vm12, $0x0, v0  }
0x74: {  	vm14 =	veq.s32 v3, $0x0;
	v3 =	vld [tilespmem:s10+$0x1F0];
	v55 =	vsel vm13, $0x0, v0;
	[tilespmem:s10+$0x1D80] =	vst v54  }
0x75: {  	vm15 =	veq.s32 v52, $0x0;
	v56 =	vsel vm14, $0x0, v0;
	[tilespmem:s10+$0x1D90] =	vst v55  }
0x76: {  	vm4 =	veq.s32 v53, $0x0;
	v4 =	vsel vm15, $0x0, v0;
	[tilespmem:s10+$0x1DA0] =	vst v56  }
0x77: {  	v57 =	vsel vm4, $0x0, v0;
	[tilespmem:s10+$0x1DB0] =	vst v4;
	vm5 =	veq.s32 v1, $0x0  }
0x78: {  	[tilespmem:s10+$0x1DC0] =	vst v57;
	vm6 =	veq.s32 v2, $0x0;
	v1 =	vsel vm5, $0x0, v0  }
0x79: {  	vm7 =	veq.s32 v3, $0x0;
	[tilespmem:s10+$0x1DD0] =	vst v1;
	v1 =	vsel vm6, $0x0, v0  }
0x7a: {  	[tilespmem:s10+$0x1DE0] =	vst v1;
	v1 =	vsel vm7, $0x0, v0  }
0x7b: {  	[tilespmem:s10+$0x1DF0] =	vst v1  }
0x7c: {  	_ =	swait.ge [sflag:s22], $0x4000  }
0x7d: {  	[sflag:s22] =	ssyncset.done $0x0  }
0x7e: {  	s6 =	sadd.s32 $0x800, s8;
	s5 =	simm.s32 @!p0 $0x8;
	[sflag:s22] =	ssyncadd.s32 $0xFFFFC000  }
0x7f: {  	[hbm4b:s6+s3] =	stream.linear.scatter [tilespmem:s17], [sflag:$0x9], $0x4000, $0x38;
	[tilespmem:$0x17800] =	vst v63  }
0x80: {  	_ =	swait.ge @!p0 [sflag:s5], $0x4000  }
0x81: {  	[sflag:s5] =	ssyncset.done @!p0 $0x0  }
0x82: {  	s6 =	simm.s32 @!p0 $0xB800;
	[sflag:s5] =	ssyncadd.s32 @!p0 $0xFFFFC000;
	s5 =	sadd.s32 @!p0 $0x380, s14  }
0x83: {  	[tilespmem:s6], [sflag:$0x3] =	stream.indirect.gather @!p0 [hbm4b:s1+s24], $0x80, s5, s24, $0xb8;
	[tilespmem:$0x17800] =	vst v63  }
0x84: {  	v1 =	vld [tilespmem:s10+$0x200]  }
0x85: {  	v2 =	vld [tilespmem:s10+$0x210]  }
0x86: {  	v3 =	vld [tilespmem:s10+$0x220]  }
0x87: {  	v58 =	vld [tilespmem:s10+$0x230]  }
0x88: {  	v59 =	vld [tilespmem:s10+$0x240]  }
0x89: {  	vm8 =	veq.s32 v1, $0x0;
	v1 =	vld [tilespmem:s10+$0x250]  }
0x8a: {  	vm9 =	veq.s32 v2, $0x0;
	v2 =	vld [tilespmem:s10+$0x260];
	v60 =	vsel vm8, $0x0, v0  }
0x8b: {  	vm10 =	veq.s32 v3, $0x0;
	v3 =	vld [tilespmem:s10+$0x270];
	v61 =	vsel vm9, $0x0, v0;
	[tilespmem:s10+$0x1E00] =	vst v60  }
0x8c: {  	vm11 =	veq.s32 v58, $0x0;
	v62 =	vsel vm10, $0x0, v0;
	[tilespmem:s10+$0x1E10] =	vst v61  }
0x8d: {  	vm12 =	veq.s32 v59, $0x0;
	v4 =	vsel vm11, $0x0, v0;
	[tilespmem:s10+$0x1E20] =	vst v62  }
0x8e: {  	v63 =	vsel vm12, $0x0, v0;
	[tilespmem:s10+$0x1E30] =	vst v4;
	vm13 =	veq.s32 v1, $0x0  }
0x8f: {  	[tilespmem:s10+$0x1E40] =	vst v63;
	vm14 =	veq.s32 v2, $0x0;
	v1 =	vsel vm13, $0x0, v0  }
0x90: {  	s0 =	sadd.s32 $0xA00, s0;
	vm15 =	veq.s32 v3, $0x0;
	[tilespmem:s10+$0x1E50] =	vst v1;
	v1 =	vsel vm14, $0x0, v0  }
0x91: {  	p0 =	sne.s32 s0, $0x6400;
	[tilespmem:s10+$0x1E60] =	vst v1;
	v1 =	vsel vm15, $0x0, v0  }
.Ltmp0:
0x92: {  	[tilespmem:s10+$0x1E70] =	vst v1;
	(pc) =	sbr.rel @p0 .LBB2_2-.Ltmp0, $4  }
0x93: {  	_ =	swait.ge [sflag:s23], $0x4000  }
0x94: {  	[sflag:s23] =	ssyncset.done $0x0  }
0x95: {  	s24 =	sadd.s32 $0x1000, s8;
	s8 =	sadd.s32 $0x2800, s8;
	[sflag:s23] =	ssyncadd.s32 $0xFFFFC000  }
0x96: {  	[hbm4b:s24+s3] =	stream.linear.scatter [tilespmem:s19], [sflag:$0xA], $0x4000, $0x38;
	[tilespmem:$0x17800] =	vst v63  }
0x97: {  	s0 =	rddreg [dreg:$0x6];
	s5 =	simm.s32 $0x1C00  }
0x98: {  	[hbm4b:s0+s3] =	stream.linear.scatter [tilespmem:s5], [sflag:$0xB], $0x1900, $0x38;
	[tilespmem:$0x17800] =	vst v63  }
0x99: {  	_ =	swait.ge [sflag:s25], $0x4000  }
0x9a: {  	[sflag:s25] =	ssyncset.done $0x0  }
0x9b: {  	[sflag:s25] =	ssyncadd.s32 $0xFFFFC000  }
0x9c: {  	_ =	swait.ge [sflag:s26], $0x4000  }
0x9d: {  	[sflag:s26] =	ssyncset.done $0x0  }
0x9e: {  	[sflag:s26] =	ssyncadd.s32 $0xFFFFC000  }
0x9f: {  	_ =	swait.ge [sflag:s28], $0x4000  }
0xa0: {  	[sflag:s28] =	ssyncset.done $0x0  }
0xa1: {  	[sflag:s28] =	ssyncadd.s32 $0xFFFFC000  }
0xa2: {  	_ =	swait.ge [sflag:s29], $0x4000  }
0xa3: {  	[sflag:s29] =	ssyncset.done $0x0  }
0xa4: {  	s31 =	sadd.s32 $0x1, s31;
	[sflag:s29] =	ssyncadd.s32 $0xFFFFC000  }
0xa5: {  	p0 =	sne.s32 s31, s7;
	_ =	swait.ge [sflag:s30], $0x4000  }
.Ltmp1:
0xa6: {  	[sflag:s30] =	ssyncset.done $0x0;
	(pc) =	sbr.rel @p0 .LBB2_1-.Ltmp1, $4  }
0xa7: {  	[sflag:s30] =	ssyncadd.s32 $0xFFFFC000  }
0xa8: {  	_ =	swait.ge [sflag:s16], $0x1900  }
0xa9: {  	[sflag:s16] =	ssyncset.done $0x0  }
0xaa: {  	[sflag:s16] =	ssyncadd.s32 $0xFFFFE700  }
0xab: {  	_ =	sfence.sel $0x180000  }
0xac: {  	[bflag:$0x0] =	sbarrier.arrive $0xFFFF  }
0xad: {  	_ =	strace $0x90000047  }
0xae: {  	s0 =	stileid.u32;
	[bflag:$0x2] =	sbarrier.arrive $0xFFFF  }
0xaf: {  	p0 =	sne.s32 s0, $0x0;
	s0 =	rddreg [dreg:$0x4]  }
0xb0: {  	s0 =	sadd.s32 @!p0 $0x100000, s0  }
0xb1: {  	[sflag:s0] =	ssyncadd.tile.s32 @!p0 $0x1;
	_ =	shalt  }
.Lfunc_end2:
_tile_overlayer_lowered:
.L_overlay_start_2:
0xb2: {  	(tag) =	ssettag $0x2  }
0xb3: {  	s0 =	rddreg [dreg:$0x0];
	s2 =	stileid.u32  }
0xb4: {  	s1 =	rddreg [dreg:$0x1];
	p0 =	sne.s32 s2, $0x0  }
0xb5: {  	s3 =	rddreg [dreg:$0x2];
	[bflag:$0x3] =	sbarrier.arrive $0xFFFF;
	s2 =	simm.s32 @!p0 $0x1C0C  }
0xb6: {  	[timem:s3], [sflag:s2] =	dma.local @!p0 [hbm:s0], s1  }
0xb7: {  	s0 =	simm.s32 @!p0 $0xC  }
0xb8: {  	_ =	swait.ge @!p0 [sflag:s0], s1  }
0xb9: {  	s1 =	ssub.s32 @!p0 $0x0, s1;
	[sflag:s0] =	ssyncset.done @!p0 $0x0  }
0xba: {  	[sflag:s0] =	ssyncadd.s32 @!p0 s1  }
0xbb: {  	[bflag:$0x3] =	sbarrier.arrive $0xFFFF  }
0xbc: {  	_ =	shalt  }

</sc_bundles>
